<compile_context>
chip_gen: v7x
topology: tpu7x:2x2x1
jax: 0.10.2.dev20260603
libtpu: 0.0.44.dev20260713+nightly
codegen_flags: <defaults>
</compile_context>

<pallas_src>
import functools

import jax
import jax.numpy as jnp
from jax import lax
from jax.experimental import pallas as pl
from jax.experimental.pallas import tpu as pltpu
from jax.experimental.pallas import tpu_sc as plsc

_D, _H, _E, _KK, _FF = 768, 12, 8, 2, 2048
_B, _N = 1, 2048
_HD = _D // _H
_TB = 256
_QB = 1024
_BLK = 256
_P = _N * _KK + _E * _BLK
_NB = _P // _BLK
_NEG = -1e30
_BF = jnp.bfloat16


def _dot_t(a, b):
    return lax.dot_general(a.astype(_BF), b.astype(_BF),
                           (((1,), (1,)), ((), ())),
                           preferred_element_type=jnp.float32)


def _rms(x, w):
    return x / jnp.sqrt(jnp.mean(x * x, axis=1, keepdims=True) + 1e-6) * w



def _attn_body(x_ref, n1_ref, wq_ref, wk_ref, wv_ref, o_ref,
               h_s, k_s, v_s):
    t = pl.program_id(1)

    @pl.when((pl.program_id(0) == 0) & (t == 0))
    def _():
        h_s[...] = _rms(x_ref[...], n1_ref[...]).astype(_BF)

    @pl.when(t == 0)
    def _():
        k_s[...] = _dot_t(h_s[...], wk_ref[...]).astype(_BF)
        v_s[...] = _dot_t(h_s[...], wv_ref[...]).astype(_BF)

    q = _dot_t(h_s[pl.ds(t * _QB, _QB), :], wq_ref[...]).astype(_BF)
    s = _dot_t(q, k_s[...]) * 0.125
    m = jnp.max(s, axis=1, keepdims=True)
    p = jnp.exp(s - m)
    l = jnp.sum(p, axis=1, keepdims=True)
    o = lax.dot_general(p.astype(_BF), v_s[...], (((1,), (0,)), ((), ())),
                        preferred_element_type=jnp.float32)
    o_ref[0] = (o / l).astype(_BF)


def _post_body(a_ref, x_ref, n1_ref, wg_ref, n2_ref, wo_ref, wm_ref,
               x1_ref, h2_ref, pos_ref, w_ref, meta_ref):
    a3 = a_ref[...]
    a = a3.transpose(1, 0, 2).reshape(_N, _D)
    out = _dot_t(a, wo_ref[...])
    g = jax.nn.sigmoid(_dot_t(_rms(x_ref[...], n1_ref[...]), wg_ref[...]))
    x1 = x_ref[...] + out * g
    x1_ref[...] = x1
    h2 = _rms(x1, n2_ref[...])
    h2_ref[...] = h2
    lg = _dot_t(h2, wm_ref[...])
    ji = lax.broadcasted_iota(jnp.int32, (_N, 128), 1)
    l1 = jnp.where(ji < _E, lg, _NEG)
    m1 = jnp.max(l1, axis=1, keepdims=True)
    i1 = jnp.min(jnp.where(l1 == m1, ji, 127), axis=1, keepdims=True)
    l2 = jnp.where(ji == i1, _NEG, l1)
    m2 = jnp.max(l2, axis=1, keepdims=True)
    i2 = jnp.min(jnp.where(l2 == m2, ji, 127), axis=1, keepdims=True)
    e2 = jnp.exp(m2 - m1)
    w1 = 1.0 / (1.0 + e2)
    w2 = e2 / (1.0 + e2)
    a0 = (ji == i1).astype(jnp.int32)
    a1 = (ji == i2).astype(jnp.int32)

    def shift_rows(a, sh):
        return jnp.concatenate(
            [jnp.zeros((sh, 128), a.dtype), a[: _N - sh]], axis=0)

    def cumsum_ex_rows(a):
        a = shift_rows(a, 1)
        sh = 1
        while sh < _N:
            a = a + shift_rows(a, sh)
            sh *= 2
        return a

    c0x = cumsum_ex_rows(a0)
    c1x = cumsum_ex_rows(a1)
    c0 = jnp.sum(a0, axis=0, keepdims=True)
    c1 = jnp.sum(a1, axis=0, keepdims=True)
    pc = ((c0 + c1 + (_BLK - 1)) // _BLK) * _BLK

    def shift_lanes(a, sh):
        return jnp.concatenate(
            [jnp.zeros((a.shape[0], sh), a.dtype), a[:, : 128 - sh]], axis=1)

    off = shift_lanes(pc, 1)
    for sh in (1, 2, 4):
        off = off + shift_lanes(off, sh)
    cum_end = off + pc
    pos0 = jnp.sum(a0 * (c0x + off), axis=1, keepdims=True)
    pos1 = jnp.sum(a1 * (c1x + c0 + off), axis=1, keepdims=True)
    pos_ref[...] = jnp.where(ji == 0, pos0, jnp.where(ji == 1, pos1, 0))
    w_ref[...] = jnp.where(ji == 0, w1, jnp.where(ji == 1, w2, 0.0))
    bi = lax.broadcasted_iota(jnp.int32, (128, 128), 0) * _BLK
    ji2 = lax.broadcasted_iota(jnp.int32, (128, 128), 1)
    ge = jnp.where((ji2 < _E) & (bi >= cum_end), 1, 0)
    be = jnp.minimum(jnp.sum(ge, axis=1, keepdims=True), _E - 1)
    meta_ref[...] = jnp.where(ji2 == 0, be, 0)


def _ffn_body(be_ref, x_ref, w1_ref, w2_ref, o_ref):
    h = _dot_t(x_ref[...], w1_ref[0])
    h = h * jax.nn.sigmoid(h)
    o_ref[...] = _dot_t(h, w2_ref[0])


def _comb_body(x1_ref, g0_ref, g1_ref, w_ref, y_ref):
    y_ref[...] = (x1_ref[...]
                  + w_ref[:, 0:1] * g0_ref[...]
                  + w_ref[:, 1:2] * g1_ref[...])



def _sc_scatter(h2, idx):
    @functools.partial(
        pl.kernel,
        mesh=plsc.VectorSubcoreMesh(core_axis_name="c", subcore_axis_name="s"),
        out_type=jax.ShapeDtypeStruct((_P, _D), jnp.float32),
        scratch_types=[
            pltpu.VMEM((128,), jnp.int32),
            pltpu.VMEM((128, _D), jnp.float32),
            pltpu.SemaphoreType.DMA,
        ],
    )
    def k(h2_hbm, idx_hbm, out_hbm, idx_v, rows_v, sem):
        wid = lax.axis_index("s") * 2 + lax.axis_index("c")
        src = (wid % 16) * 128
        pltpu.sync_copy(idx_hbm.at[wid], idx_v)
        pltpu.sync_copy(h2_hbm.at[pl.ds(src, 128)], rows_v)
        pltpu.async_copy(rows_v, out_hbm.at[idx_v], sem).wait()

    return k(h2, idx)


def _sc_gather(f, idx):
    @functools.partial(
        pl.kernel,
        mesh=plsc.VectorSubcoreMesh(core_axis_name="c", subcore_axis_name="s"),
        out_type=jax.ShapeDtypeStruct((_N * _KK, _D), jnp.float32),
        scratch_types=[
            pltpu.VMEM((128,), jnp.int32),
            pltpu.VMEM((128, _D), jnp.float32),
            pltpu.SemaphoreType.DMA,
        ],
    )
    def k(f_hbm, idx_hbm, out_hbm, idx_v, rows_v, sem):
        wid = lax.axis_index("s") * 2 + lax.axis_index("c")
        pltpu.sync_copy(idx_hbm.at[wid], idx_v)
        pltpu.async_copy(f_hbm.at[idx_v], rows_v, sem).wait()
        pltpu.sync_copy(rows_v, out_hbm.at[pl.ds(wid * 128, 128)])

    return k(f, idx)



def kernel(x, norm1_w, norm2_w, Wq, Wk, Wv, Wo, Wg, Wmoe, W1, W2):
    x2d = x.reshape(_N, _D)
    n1 = norm1_w.reshape(1, _D)
    n2 = norm2_w.reshape(1, _D)
    wm_pad = jnp.pad(Wmoe, ((0, 128 - _E), (0, 0)))

    attn3 = pl.pallas_call(
        _attn_body,
        grid=(_H, _N // _QB),
        in_specs=[
            pl.BlockSpec((_N, _D), lambda h, t: (0, 0)),
            pl.BlockSpec((1, _D), lambda h, t: (0, 0)),
            pl.BlockSpec((_HD, _D), lambda h, t: (h, 0)),
            pl.BlockSpec((_HD, _D), lambda h, t: (h, 0)),
            pl.BlockSpec((_HD, _D), lambda h, t: (h, 0)),
        ],
        out_specs=pl.BlockSpec((1, _QB, _HD), lambda h, t: (h, t, 0)),
        out_shape=jax.ShapeDtypeStruct((_H, _N, _HD), _BF),
        scratch_shapes=[
            pltpu.VMEM((_N, _D), _BF),
            pltpu.VMEM((_N, _HD), _BF),
            pltpu.VMEM((_N, _HD), _BF),
        ],
    )(x2d, n1, Wq, Wk, Wv)

    x1, h2, pos_out, w_out, meta = pl.pallas_call(
        _post_body,
        out_shape=[
            jax.ShapeDtypeStruct((_N, _D), jnp.float32),
            jax.ShapeDtypeStruct((_N, _D), jnp.float32),
            jax.ShapeDtypeStruct((_N, 128), jnp.int32),
            jax.ShapeDtypeStruct((_N, 128), jnp.float32),
            jax.ShapeDtypeStruct((128, 128), jnp.int32),
        ],
    )(attn3, x2d, n1, Wg, n2, Wo, wm_pad)

    idx = jnp.concatenate([pos_out[:, 0], pos_out[:, 1]]).reshape(32, 128)
    be = meta[: _NB, 0]

    xs = _sc_scatter(h2, idx)

    f = pl.pallas_call(
        _ffn_body,
        grid_spec=pltpu.PrefetchScalarGridSpec(
            num_scalar_prefetch=1,
            grid=(_NB,),
            in_specs=[
                pl.BlockSpec((_BLK, _D), lambda b, be_r: (b, 0)),
                pl.BlockSpec((1, _FF, _D), lambda b, be_r: (be_r[b], 0, 0)),
                pl.BlockSpec((1, _D, _FF), lambda b, be_r: (be_r[b], 0, 0)),
            ],
            out_specs=pl.BlockSpec((_BLK, _D), lambda b, be_r: (b, 0)),
        ),
        out_shape=jax.ShapeDtypeStruct((_P, _D), jnp.float32),
    )(be, xs, W1, W2)

    gth = _sc_gather(f, idx)

    y = pl.pallas_call(
        _comb_body,
        grid=(_N // _TB,),
        in_specs=[
            pl.BlockSpec((_TB, _D), lambda t: (t, 0)),
            pl.BlockSpec((_TB, _D), lambda t: (t, 0)),
            pl.BlockSpec((_TB, _D), lambda t: (t + _N // _TB, 0)),
            pl.BlockSpec((_TB, 128), lambda t: (t, 0)),
        ],
        out_specs=pl.BlockSpec((_TB, _D), lambda t: (t, 0)),
        out_shape=jax.ShapeDtypeStruct((_N, _D), jnp.float32),
    )(x1, gth, gth, w_out)

    return y.reshape(_B, _N, _D)

# --- scband reference (transcript-rebuilt; emitter-appended) ---
"""Pipeline reference for scband-qwen3-mo-elayer-45595372814859 (READ-ONLY COPY).

The authoritative reference and input builder live on the scoring server;
editing this copy changes nothing except your own understanding.
"""

import jax, jax.numpy as jnp
import numpy as np

D, H, E, K, FF = 768, 12, 8, 2, 2048
B, N = 1, 2048
HD = D // H

def rmsnorm(x, w, eps=1e-6):
    rms = jnp.sqrt(jnp.mean(x ** 2, axis=-1, keepdims=True) + eps)
    return x / rms * w

def setup_inputs(seed: int = 0):
    key = jax.random.key(seed)
    ks = jax.random.split(key, 10)
    def lin(k, shape, fan_in):
        return jax.random.normal(k, shape, dtype=jnp.float32) * (1.0 / np.sqrt(fan_in))
    return {
        "x": jax.random.normal(ks[0], (B, N, D), dtype=jnp.float32),
        "norm1_w": jnp.ones((D,), jnp.float32),
        "norm2_w": jnp.ones((D,), jnp.float32),
        "Wq": lin(ks[1], (D, D), D),
        "Wk": lin(ks[2], (D, D), D),
        "Wv": lin(ks[3], (D, D), D),
        "Wo": lin(ks[4], (D, D), D),
        "Wg": lin(ks[5], (D, D), D),
        "Wmoe": lin(ks[6], (E, D), D),
        "W1": lin(ks[7], (E, FF, D), D),
        "W2": lin(ks[8], (E, D, FF), FF),
    }

def reference(x, norm1_w, norm2_w, Wq, Wk, Wv, Wo, Wg, Wmoe, W1, W2):
    # --- gated self-attention (eval mode: no dropout, math SDPA path) ---
    h = rmsnorm(x, norm1_w)
    q = (h @ Wq.T).reshape(B, N, H, HD).transpose(0, 2, 1, 3)
    k = (h @ Wk.T).reshape(B, N, H, HD).transpose(0, 2, 1, 3)
    v = (h @ Wv.T).reshape(B, N, H, HD).transpose(0, 2, 1, 3)
    attn_w = jax.nn.softmax(jnp.einsum('bhqd,bhkd->bhqk', q, k) / np.sqrt(HD), axis=-1)
    attn_out = jnp.einsum('bhqk,bhkd->bhqd', attn_w, v).transpose(0, 2, 1, 3).reshape(B, N, D)
    out = attn_out @ Wo.T
    gate = jax.nn.sigmoid(h @ Wg.T)
    x = x + out * gate
    # --- MoE FFN with top-2 routing ---
    h2 = rmsnorm(x, norm2_w)
    gate_logits = h2 @ Wmoe.T                      # [B, N, E]
    topw, topi = jax.lax.top_k(gate_logits, K)     # [B, N, K]
    topw = jax.nn.softmax(topw, axis=-1)
    moe_out = jnp.zeros_like(h2)
    for e in range(E):
        expert_out = jax.nn.silu(h2 @ W1[e].T) @ W2[e].T   # [B, N, D]
        coef = jnp.sum(jnp.where(topi == e, topw, 0.0), axis=-1, keepdims=True)
        moe_out = moe_out + coef * expert_out
    return x + moe_out

if __name__ == "__main__":
    import jax
    _d = setup_inputs()
    print(jax.jit(kernel)(*tuple(_d.values())))

</pallas_src>

<mosaic_0001>
#map = affine_map<(d0, d1) -> (0, 0)>
module attributes {stable_mosaic.version = 14 : i64} {
  func.func @k(%arg0: i32, %arg1: i32, %arg2: memref<6144x768xf32, #tpu.memory_space<hbm>>, %arg3: memref<32x128xi32, #tpu.memory_space<hbm>>, %arg4: memref<4096x768xf32, #tpu.memory_space<hbm>>, %arg5: memref<128xi32, #tpu.memory_space<vmem>>, %arg6: memref<128x768xf32, #tpu.memory_space<vmem>>, %arg7: memref<!tpu.dma_semaphore, #tpu.memory_space<semaphore_mem>>) attributes {dimension_semantics = [#tpu.dimension_semantics<core_parallel>, #tpu.dimension_semantics<subcore_parallel>], iteration_bounds = array<i64: 2, 16>, scalar_prefetch = 0 : i64, scratch_operands = 3 : i64, tpu.core_type = #tpu.core_type<sc_vector_subcore>, window_params = [{transform_indices = #map}, {transform_indices = #map}, {transform_indices = #map}]} {
    %mul3A = arith.constant 2 : i32
    %mul3A_0 = arith.muli %arg1, %mul3A : i32
    %add3A = arith.addi %mul3A_0, %arg0 : i32
    "tpu.region"() ({
      %run_scoped3A = tpu.sem_alloc : memref<!tpu.dma_semaphore, #tpu.memory_space<semaphore_mem>>
      %dma_start3A_7 = arith.constant 0 : i32
      %dma_start3A_8 = tpu.memref_slice %arg3[%add3A, %dma_start3A_7] : memref<32x128xi32, #tpu.memory_space<hbm>> -> memref<1x128xi32, #tpu.memory_space<hbm>>
      %dma_start3A_9 = tpu.memref_squeeze %dma_start3A_8 : memref<1x128xi32, #tpu.memory_space<hbm>> -> memref<128xi32, #tpu.memory_space<hbm>>
      %dma_start3A_10 = arith.constant 0 : i32
      %dma_start3A_11 = tpu.memref_slice %arg3[%add3A, %dma_start3A_10] : memref<32x128xi32, #tpu.memory_space<hbm>> -> memref<1x128xi32, #tpu.memory_space<hbm>>
      %dma_start3A_12 = tpu.memref_squeeze %dma_start3A_11 : memref<1x128xi32, #tpu.memory_space<hbm>> -> memref<128xi32, #tpu.memory_space<hbm>>
      tpu.enqueue_dma source(%dma_start3A_12 : memref<128xi32, #tpu.memory_space<hbm>>) target(%arg5 : memref<128xi32, #tpu.memory_space<vmem>>) target_semaphore(%run_scoped3A : memref<!tpu.dma_semaphore, #tpu.memory_space<semaphore_mem>>)
      %dma_wait3A_13 = arith.constant 0 : i32
      %dma_wait3A_14 = tpu.memref_slice %arg3[%add3A, %dma_wait3A_13] : memref<32x128xi32, #tpu.memory_space<hbm>> -> memref<1x128xi32, #tpu.memory_space<hbm>>
      %dma_wait3A_15 = tpu.memref_squeeze %dma_wait3A_14 : memref<1x128xi32, #tpu.memory_space<hbm>> -> memref<128xi32, #tpu.memory_space<hbm>>
      %dma_wait3A_16 = arith.constant 0 : i32
      %dma_wait3A_17 = tpu.memref_slice %arg3[%add3A, %dma_wait3A_16] : memref<32x128xi32, #tpu.memory_space<hbm>> -> memref<1x128xi32, #tpu.memory_space<hbm>>
      %dma_wait3A_18 = tpu.memref_squeeze %dma_wait3A_17 : memref<1x128xi32, #tpu.memory_space<hbm>> -> memref<128xi32, #tpu.memory_space<hbm>>
      tpu.wait_dma2 semaphore(%run_scoped3A : memref<!tpu.dma_semaphore, #tpu.memory_space<semaphore_mem>>) src(%dma_wait3A_18 : memref<128xi32, #tpu.memory_space<hbm>>) dst(%arg5 : memref<128xi32, #tpu.memory_space<vmem>>)
      tpu.yield
    }) : () -> ()
    %dma_start3A = arith.constant 0 : i32
    %dma_start3A_1 = arith.constant 0 : i32
    %dma_start3A_2 = tpu.memref_slice %arg2[%dma_start3A, %dma_start3A_1] : memref<6144x768xf32, #tpu.memory_space<hbm>> -> memref<6144x768xf32, #tpu.memory_space<hbm>>
    tpu.enqueue_indirect_dma source(%dma_start3A_2 : memref<6144x768xf32, #tpu.memory_space<hbm>>) target(%arg6 : memref<128x768xf32, #tpu.memory_space<vmem>>) offsets(%arg5 : memref<128xi32, #tpu.memory_space<vmem>>) semaphore(%arg7 : memref<!tpu.dma_semaphore, #tpu.memory_space<semaphore_mem>>)
    %dma_wait3A = arith.constant 0 : i32
    %dma_wait3A_3 = arith.constant 0 : i32
    %dma_wait3A_4 = tpu.memref_slice %arg2[%dma_wait3A, %dma_wait3A_3] : memref<6144x768xf32, #tpu.memory_space<hbm>> -> memref<6144x768xf32, #tpu.memory_space<hbm>>
    tpu.wait_indirect_dma semaphore(%arg7 : memref<!tpu.dma_semaphore, #tpu.memory_space<semaphore_mem>>) src(%dma_wait3A_4 : memref<6144x768xf32, #tpu.memory_space<hbm>>) dst(%arg6 : memref<128x768xf32, #tpu.memory_space<vmem>>)
    %mul3A_5 = arith.constant 128 : i32
    %mul3A_6 = arith.muli %add3A, %mul3A_5 : i32
    "tpu.region"() ({
      %run_scoped3A = tpu.sem_alloc : memref<!tpu.dma_semaphore, #tpu.memory_space<semaphore_mem>>
      %dma_start3A_7 = arith.constant 0 : i32
      %dma_start3A_8 = tpu.memref_slice %arg4[%mul3A_6, %dma_start3A_7] : memref<4096x768xf32, #tpu.memory_space<hbm>> -> memref<128x768xf32, #tpu.memory_space<hbm>>
      %dma_start3A_9 = arith.constant 0 : i32
      %dma_start3A_10 = tpu.memref_slice %arg4[%mul3A_6, %dma_start3A_9] : memref<4096x768xf32, #tpu.memory_space<hbm>> -> memref<128x768xf32, #tpu.memory_space<hbm>>
      tpu.enqueue_dma source(%arg6 : memref<128x768xf32, #tpu.memory_space<vmem>>) target(%dma_start3A_10 : memref<128x768xf32, #tpu.memory_space<hbm>>) target_semaphore(%run_scoped3A : memref<!tpu.dma_semaphore, #tpu.memory_space<semaphore_mem>>)
      %dma_wait3A_11 = arith.constant 0 : i32
      %dma_wait3A_12 = tpu.memref_slice %arg4[%mul3A_6, %dma_wait3A_11] : memref<4096x768xf32, #tpu.memory_space<hbm>> -> memref<128x768xf32, #tpu.memory_space<hbm>>
      %dma_wait3A_13 = arith.constant 0 : i32
      %dma_wait3A_14 = tpu.memref_slice %arg4[%mul3A_6, %dma_wait3A_13] : memref<4096x768xf32, #tpu.memory_space<hbm>> -> memref<128x768xf32, #tpu.memory_space<hbm>>
      tpu.wait_dma2 semaphore(%run_scoped3A : memref<!tpu.dma_semaphore, #tpu.memory_space<semaphore_mem>>) src(%arg6 : memref<128x768xf32, #tpu.memory_space<vmem>>) dst(%dma_wait3A_14 : memref<128x768xf32, #tpu.memory_space<hbm>>)
      tpu.yield
    }) : () -> ()
    return
  }
}

#map = affine_map<(d0, d1) -> (0, 0)>
module attributes {stable_mosaic.version = 14 : i64} {
  func.func @k(%arg0: i32, %arg1: i32, %arg2: memref<2048x768xf32, #tpu.memory_space<hbm>>, %arg3: memref<32x128xi32, #tpu.memory_space<hbm>>, %arg4: memref<6144x768xf32, #tpu.memory_space<hbm>>, %arg5: memref<128xi32, #tpu.memory_space<vmem>>, %arg6: memref<128x768xf32, #tpu.memory_space<vmem>>, %arg7: memref<!tpu.dma_semaphore, #tpu.memory_space<semaphore_mem>>) attributes {dimension_semantics = [#tpu.dimension_semantics<core_parallel>, #tpu.dimension_semantics<subcore_parallel>], iteration_bounds = array<i64: 2, 16>, scalar_prefetch = 0 : i64, scratch_operands = 3 : i64, tpu.core_type = #tpu.core_type<sc_vector_subcore>, window_params = [{transform_indices = #map}, {transform_indices = #map}, {transform_indices = #map}]} {
    %mul3A = arith.constant 2 : i32
    %mul3A_0 = arith.muli %arg1, %mul3A : i32
    %add3A = arith.addi %mul3A_0, %arg0 : i32
    %jit3A = arith.constant 16 : i32
    %eq3A = arith.constant 0 : i32
    %eq3A_1 = arith.cmpi eq, %jit3A, %eq3A : i32
    %jit3A_2 = arith.constant 1 : i32
    %select_n3A = arith.select %eq3A_1, %jit3A_2, %jit3A : i32
    %rem3A = arith.remsi %add3A, %select_n3A : i32
    %ne3A = arith.constant 0 : i32
    %ne3A_3 = arith.cmpi ne, %rem3A, %ne3A : i32
    %lt3A = arith.constant 0 : i32
    %lt3A_4 = arith.cmpi slt, %rem3A, %lt3A : i32
    %lt3A_5 = arith.constant 0 : i32
    %lt3A_6 = arith.cmpi slt, %select_n3A, %lt3A_5 : i32
    %ne3A_7 = arith.xori %lt3A_4, %lt3A_6 : i1
    %and3A = arith.andi %ne3A_7, %ne3A_3 : i1
    %add3A_8 = arith.addi %rem3A, %select_n3A : i32
    %select_n3A_9 = arith.select %and3A, %add3A_8, %rem3A : i32
    %mul3A_10 = arith.constant 128 : i32
    %mul3A_11 = arith.muli %select_n3A_9, %mul3A_10 : i32
    "tpu.region"() ({
      %run_scoped3A = tpu.sem_alloc : memref<!tpu.dma_semaphore, #tpu.memory_space<semaphore_mem>>
      %dma_start3A_16 = arith.constant 0 : i32
      %dma_start3A_17 = tpu.memref_slice %arg3[%add3A, %dma_start3A_16] : memref<32x128xi32, #tpu.memory_space<hbm>> -> memref<1x128xi32, #tpu.memory_space<hbm>>
      %dma_start3A_18 = tpu.memref_squeeze %dma_start3A_17 : memref<1x128xi32, #tpu.memory_space<hbm>> -> memref<128xi32, #tpu.memory_space<hbm>>
      %dma_start3A_19 = arith.constant 0 : i32
      %dma_start3A_20 = tpu.memref_slice %arg3[%add3A, %dma_start3A_19] : memref<32x128xi32, #tpu.memory_space<hbm>> -> memref<1x128xi32, #tpu.memory_space<hbm>>
      %dma_start3A_21 = tpu.memref_squeeze %dma_start3A_20 : memref<1x128xi32, #tpu.memory_space<hbm>> -> memref<128xi32, #tpu.memory_space<hbm>>
      tpu.enqueue_dma source(%dma_start3A_21 : memref<128xi32, #tpu.memory_space<hbm>>) target(%arg5 : memref<128xi32, #tpu.memory_space<vmem>>) target_semaphore(%run_scoped3A : memref<!tpu.dma_semaphore, #tpu.memory_space<semaphore_mem>>)
      %dma_wait3A_22 = arith.constant 0 : i32
      %dma_wait3A_23 = tpu.memref_slice %arg3[%add3A, %dma_wait3A_22] : memref<32x128xi32, #tpu.memory_space<hbm>> -> memref<1x128xi32, #tpu.memory_space<hbm>>
      %dma_wait3A_24 = tpu.memref_squeeze %dma_wait3A_23 : memref<1x128xi32, #tpu.memory_space<hbm>> -> memref<128xi32, #tpu.memory_space<hbm>>
      %dma_wait3A_25 = arith.constant 0 : i32
      %dma_wait3A_26 = tpu.memref_slice %arg3[%add3A, %dma_wait3A_25] : memref<32x128xi32, #tpu.memory_space<hbm>> -> memref<1x128xi32, #tpu.memory_space<hbm>>
      %dma_wait3A_27 = tpu.memref_squeeze %dma_wait3A_26 : memref<1x128xi32, #tpu.memory_space<hbm>> -> memref<128xi32, #tpu.memory_space<hbm>>
      tpu.wait_dma2 semaphore(%run_scoped3A : memref<!tpu.dma_semaphore, #tpu.memory_space<semaphore_mem>>) src(%dma_wait3A_27 : memref<128xi32, #tpu.memory_space<hbm>>) dst(%arg5 : memref<128xi32, #tpu.memory_space<vmem>>)
      tpu.yield
    }) : () -> ()
    "tpu.region"() ({
      %run_scoped3A = tpu.sem_alloc : memref<!tpu.dma_semaphore, #tpu.memory_space<semaphore_mem>>
      %dma_start3A_16 = arith.constant 0 : i32
      %dma_start3A_17 = tpu.memref_slice %arg2[%mul3A_11, %dma_start3A_16] : memref<2048x768xf32, #tpu.memory_space<hbm>> -> memref<128x768xf32, #tpu.memory_space<hbm>>
      %dma_start3A_18 = arith.constant 0 : i32
      %dma_start3A_19 = tpu.memref_slice %arg2[%mul3A_11, %dma_start3A_18] : memref<2048x768xf32, #tpu.memory_space<hbm>> -> memref<128x768xf32, #tpu.memory_space<hbm>>
      tpu.enqueue_dma source(%dma_start3A_19 : memref<128x768xf32, #tpu.memory_space<hbm>>) target(%arg6 : memref<128x768xf32, #tpu.memory_space<vmem>>) target_semaphore(%run_scoped3A : memref<!tpu.dma_semaphore, #tpu.memory_space<semaphore_mem>>)
      %dma_wait3A_20 = arith.constant 0 : i32
      %dma_wait3A_21 = tpu.memref_slice %arg2[%mul3A_11, %dma_wait3A_20] : memref<2048x768xf32, #tpu.memory_space<hbm>> -> memref<128x768xf32, #tpu.memory_space<hbm>>
      %dma_wait3A_22 = arith.constant 0 : i32
      %dma_wait3A_23 = tpu.memref_slice %arg2[%mul3A_11, %dma_wait3A_22] : memref<2048x768xf32, #tpu.memory_space<hbm>> -> memref<128x768xf32, #tpu.memory_space<hbm>>
      tpu.wait_dma2 semaphore(%run_scoped3A : memref<!tpu.dma_semaphore, #tpu.memory_space<semaphore_mem>>) src(%dma_wait3A_23 : memref<128x768xf32, #tpu.memory_space<hbm>>) dst(%arg6 : memref<128x768xf32, #tpu.memory_space<vmem>>)
      tpu.yield
    }) : () -> ()
    %dma_start3A = arith.constant 0 : i32
    %dma_start3A_12 = arith.constant 0 : i32
    %dma_start3A_13 = tpu.memref_slice %arg4[%dma_start3A, %dma_start3A_12] : memref<6144x768xf32, #tpu.memory_space<hbm>> -> memref<6144x768xf32, #tpu.memory_space<hbm>>
    tpu.enqueue_indirect_dma source(%arg6 : memref<128x768xf32, #tpu.memory_space<vmem>>) target(%dma_start3A_13 : memref<6144x768xf32, #tpu.memory_space<hbm>>) offsets(%arg5 : memref<128xi32, #tpu.memory_space<vmem>>) semaphore(%arg7 : memref<!tpu.dma_semaphore, #tpu.memory_space<semaphore_mem>>)
    %dma_wait3A = arith.constant 0 : i32
    %dma_wait3A_14 = arith.constant 0 : i32
    %dma_wait3A_15 = tpu.memref_slice %arg4[%dma_wait3A, %dma_wait3A_14] : memref<6144x768xf32, #tpu.memory_space<hbm>> -> memref<6144x768xf32, #tpu.memory_space<hbm>>
    tpu.wait_indirect_dma semaphore(%arg7 : memref<!tpu.dma_semaphore, #tpu.memory_space<semaphore_mem>>) src(%arg6 : memref<128x768xf32, #tpu.memory_space<vmem>>) dst(%dma_wait3A_15 : memref<6144x768xf32, #tpu.memory_space<hbm>>)
    return
  }
}

module attributes {stable_mosaic.version = 14 : i64} {
  func.func @_attn_body(%arg0: i32, %arg1: i32, %arg2: memref<2048x768xf32, #tpu.memory_space<vmem>>, %arg3: memref<1x768xf32, #tpu.memory_space<vmem>>, %arg4: memref<64x768xf32, #tpu.memory_space<vmem>>, %arg5: memref<64x768xf32, #tpu.memory_space<vmem>>, %arg6: memref<64x768xf32, #tpu.memory_space<vmem>>, %arg7: memref<1x1024x64xbf16, #tpu.memory_space<vmem>>, %arg8: memref<2048x768xbf16, #tpu.memory_space<vmem>>, %arg9: memref<2048x64xbf16, #tpu.memory_space<vmem>>, %arg10: memref<2048x64xbf16, #tpu.memory_space<vmem>>) attributes {dimension_semantics = [#tpu.dimension_semantics<arbitrary>, #tpu.dimension_semantics<arbitrary>], iteration_bounds = array<i64: 12, 2>, scalar_prefetch = 0 : i64, scratch_operands = 3 : i64, tpu.core_type = #tpu.core_type<tc>, window_params = [{pipeline_mode = #tpu.pipeline_mode<synchronous>, transform_indices = @transform_0, window_bounds = array<i64: 2048, 768>}, {pipeline_mode = #tpu.pipeline_mode<synchronous>, transform_indices = @transform_1, window_bounds = array<i64: 1, 768>}, {transform_indices = @transform_2, window_bounds = array<i64: 64, 768>}, {transform_indices = @transform_3, window_bounds = array<i64: 64, 768>}, {transform_indices = @transform_4, window_bounds = array<i64: 64, 768>}, {transform_indices = @transform_5, window_bounds = array<i64: 1, 1024, 64>}]} {
    %eq3A = arith.constant 0 : i32
    %eq3A_0 = arith.cmpi eq, %arg0, %eq3A : i32
    %eq3A_1 = arith.constant 0 : i32
    %eq3A_2 = arith.cmpi eq, %arg1, %eq3A_1 : i32
    %and3A = arith.andi %eq3A_0, %eq3A_2 : i1
    %convert_element_type3A = arith.extui %and3A : i1 to i32
    %cond3A = arith.constant 0 : i32
    %cond3A_3 = arith.cmpi ne, %convert_element_type3A, %cond3A : i32
    scf.if %cond3A_3 {
      %get3A_43 = arith.constant 0 : index
      %get3A_44 = arith.constant 0 : index
      %get3A_45 = vector.load %arg2[%get3A_43, %get3A_44] : memref<2048x768xf32, #tpu.memory_space<vmem>>, vector<2048x768xf32>
      %get3A_46 = arith.constant 0 : index
      %get3A_47 = arith.constant 0 : index
      %get3A_48 = vector.load %arg3[%get3A_46, %get3A_47] : memref<1x768xf32, #tpu.memory_space<vmem>>, vector<1x768xf32>
      %mul3A_49 = arith.mulf %get3A_45, %get3A_45 : vector<2048x768xf32>
      %reduce_sum3A_50 = arith.constant dense<0.000000e+00> : vector<2048xf32>
      %reduce_sum3A_51 = vector.multi_reduction <add>, %mul3A_49, %reduce_sum3A_50 [1] : vector<2048x768xf32> to vector<2048xf32>
      %broadcast_in_dim3A_52 = vector.shape_cast %reduce_sum3A_51 : vector<2048xf32> to vector<2048x1xf32>
      %div3A_53 = arith.constant 7.680000e+02 : f32
      %div3A_54 = vector.broadcast %div3A_53 : f32 to vector<2048x1xf32>
      %div3A_55 = arith.divf %broadcast_in_dim3A_52, %div3A_54 : vector<2048x1xf32>
      %add3A = arith.constant 9.99999997E-7 : f32
      %add3A_56 = vector.broadcast %add3A : f32 to vector<2048x1xf32>
      %add3A_57 = arith.addf %div3A_55, %add3A_56 : vector<2048x1xf32>
      %sqrt3A = math.sqrt %add3A_57 : vector<2048x1xf32>
      %div3A_58 = vector.broadcast %sqrt3A : vector<2048x1xf32> to vector<2048x768xf32>
      %div3A_59 = arith.divf %get3A_45, %div3A_58 : vector<2048x768xf32>
      %mul3A_60 = vector.broadcast %get3A_48 : vector<1x768xf32> to vector<2048x768xf32>
      %mul3A_61 = arith.mulf %div3A_59, %mul3A_60 : vector<2048x768xf32>
      %convert_element_type3A_62 = arith.truncf %mul3A_61 : vector<2048x768xf32> to vector<2048x768xbf16>
      %swap3A_63 = arith.constant 0 : index
      %swap3A_64 = arith.constant 0 : index
      %swap3A_65 = vector.load %arg8[%swap3A_63, %swap3A_64] : memref<2048x768xbf16, #tpu.memory_space<vmem>>, vector<2048x768xbf16>
      tpu.vector_store %arg8[%swap3A_63, %swap3A_64], %convert_element_type3A_62 {strides = array<i32>} : memref<2048x768xbf16, #tpu.memory_space<vmem>>, vector<2048x768xbf16>,
    } else {
    }
    %eq3A_4 = arith.constant 0 : i32
    %eq3A_5 = arith.cmpi eq, %arg1, %eq3A_4 : i32
    %convert_element_type3A_6 = arith.extui %eq3A_5 : i1 to i32
    %cond3A_7 = arith.constant 0 : i32
    %cond3A_8 = arith.cmpi ne, %convert_element_type3A_6, %cond3A_7 : i32
    scf.if %cond3A_8 {
      %get3A_43 = arith.constant 0 : index
      %get3A_44 = arith.constant 0 : index
      %get3A_45 = vector.load %arg8[%get3A_43, %get3A_44] : memref<2048x768xbf16, #tpu.memory_space<vmem>>, vector<2048x768xbf16>
      %get3A_46 = arith.constant 0 : index
      %get3A_47 = arith.constant 0 : index
      %get3A_48 = vector.load %arg5[%get3A_46, %get3A_47] : memref<64x768xf32, #tpu.memory_space<vmem>>, vector<64x768xf32>
      %convert_element_type3A_49 = arith.truncf %get3A_48 : vector<64x768xf32> to vector<64x768xbf16>
      %dot_general3A_50 = arith.constant dense<0.000000e+00> : vector<2048x64xf32>
      %dot_general3A_51 = tpu.matmul %get3A_45, %convert_element_type3A_49, %dot_general3A_50 {dimension_numbers = #tpu.dot_dimension_numbers<[1], [1], [0], [0], [0, 0, 1, 0], [], []>, transpose_lhs_hint = false} : vector<2048x768xbf16>, vector<64x768xbf16>, vector<2048x64xf32> -> vector<2048x64xf32>
      %convert_element_type3A_52 = arith.truncf %dot_general3A_51 : vector<2048x64xf32> to vector<2048x64xbf16>
      %swap3A_53 = arith.constant 0 : index
      %swap3A_54 = arith.constant 0 : index
      %swap3A_55 = vector.load %arg9[%swap3A_53, %swap3A_54] : memref<2048x64xbf16, #tpu.memory_space<vmem>>, vector<2048x64xbf16>
      tpu.vector_store %arg9[%swap3A_53, %swap3A_54], %convert_element_type3A_52 {strides = array<i32>} : memref<2048x64xbf16, #tpu.memory_space<vmem>>, vector<2048x64xbf16>,
      %get3A_56 = arith.constant 0 : index
      %get3A_57 = arith.constant 0 : index
      %get3A_58 = vector.load %arg8[%get3A_56, %get3A_57] : memref<2048x768xbf16, #tpu.memory_space<vmem>>, vector<2048x768xbf16>
      %get3A_59 = arith.constant 0 : index
      %get3A_60 = arith.constant 0 : index
      %get3A_61 = vector.load %arg6[%get3A_59, %get3A_60] : memref<64x768xf32, #tpu.memory_space<vmem>>, vector<64x768xf32>
      %convert_element_type3A_62 = arith.truncf %get3A_61 : vector<64x768xf32> to vector<64x768xbf16>
      %dot_general3A_63 = arith.constant dense<0.000000e+00> : vector<2048x64xf32>
      %dot_general3A_64 = tpu.matmul %get3A_58, %convert_element_type3A_62, %dot_general3A_63 {dimension_numbers = #tpu.dot_dimension_numbers<[1], [1], [0], [0], [0, 0, 1, 0], [], []>, transpose_lhs_hint = false} : vector<2048x768xbf16>, vector<64x768xbf16>, vector<2048x64xf32> -> vector<2048x64xf32>
      %convert_element_type3A_65 = arith.truncf %dot_general3A_64 : vector<2048x64xf32> to vector<2048x64xbf16>
      %swap3A_66 = arith.constant 0 : index
      %swap3A_67 = arith.constant 0 : index
      %swap3A_68 = vector.load %arg10[%swap3A_66, %swap3A_67] : memref<2048x64xbf16, #tpu.memory_space<vmem>>, vector<2048x64xbf16>
      tpu.vector_store %arg10[%swap3A_66, %swap3A_67], %convert_element_type3A_65 {strides = array<i32>} : memref<2048x64xbf16, #tpu.memory_space<vmem>>, vector<2048x64xbf16>,
    } else {
    }
    %mul3A = arith.constant 1024 : i32
    %mul3A_9 = arith.muli %arg1, %mul3A : i32
    %get3A = arith.index_cast %mul3A_9 : i32 to index
    %get3A_10 = arith.constant 0 : index
    %get3A_11 = vector.load %arg8[%get3A, %get3A_10] : memref<2048x768xbf16, #tpu.memory_space<vmem>>, vector<1024x768xbf16>
    %get3A_12 = arith.constant 0 : index
    %get3A_13 = arith.constant 0 : index
    %get3A_14 = vector.load %arg4[%get3A_12, %get3A_13] : memref<64x768xf32, #tpu.memory_space<vmem>>, vector<64x768xf32>
    %convert_element_type3A_15 = arith.truncf %get3A_14 : vector<64x768xf32> to vector<64x768xbf16>
    %dot_general3A = arith.constant dense<0.000000e+00> : vector<1024x64xf32>
    %dot_general3A_16 = tpu.matmul %get3A_11, %convert_element_type3A_15, %dot_general3A {dimension_numbers = #tpu.dot_dimension_numbers<[1], [1], [0], [0], [0, 0, 1, 0], [], []>, transpose_lhs_hint = false} : vector<1024x768xbf16>, vector<64x768xbf16>, vector<1024x64xf32> -> vector<1024x64xf32>
    %convert_element_type3A_17 = arith.truncf %dot_general3A_16 : vector<1024x64xf32> to vector<1024x64xbf16>
    %get3A_18 = arith.constant 0 : index
    %get3A_19 = arith.constant 0 : index
    %get3A_20 = vector.load %arg9[%get3A_18, %get3A_19] : memref<2048x64xbf16, #tpu.memory_space<vmem>>, vector<2048x64xbf16>
    %dot_general3A_21 = arith.constant dense<0.000000e+00> : vector<1024x2048xf32>
    %dot_general3A_22 = tpu.matmul %convert_element_type3A_17, %get3A_20, %dot_general3A_21 {dimension_numbers = #tpu.dot_dimension_numbers<[1], [1], [0], [0], [0, 0, 1, 0], [], []>, transpose_lhs_hint = false} : vector<1024x64xbf16>, vector<2048x64xbf16>, vector<1024x2048xf32> -> vector<1024x2048xf32>
    %mul3A_23 = arith.constant 1.250000e-01 : f32
    %mul3A_24 = vector.broadcast %mul3A_23 : f32 to vector<1024x2048xf32>
    %mul3A_25 = arith.mulf %dot_general3A_22, %mul3A_24 : vector<1024x2048xf32>
    %reduce_max3A = arith.constant dense<0xFF800000> : vector<1024xf32>
    %reduce_max3A_26 = vector.multi_reduction <maximumf>, %mul3A_25, %reduce_max3A [1] : vector<1024x2048xf32> to vector<1024xf32>
    %broadcast_in_dim3A = vector.shape_cast %reduce_max3A_26 : vector<1024xf32> to vector<1024x1xf32>
    %sub3A = vector.broadcast %broadcast_in_dim3A : vector<1024x1xf32> to vector<1024x2048xf32>
    %sub3A_27 = arith.subf %mul3A_25, %sub3A : vector<1024x2048xf32>
    %exp3A = math.exp %sub3A_27 : vector<1024x2048xf32>
    %reduce_sum3A = arith.constant dense<0.000000e+00> : vector<1024xf32>
    %reduce_sum3A_28 = vector.multi_reduction <add>, %exp3A, %reduce_sum3A [1] : vector<1024x2048xf32> to vector<1024xf32>
    %broadcast_in_dim3A_29 = vector.shape_cast %reduce_sum3A_28 : vector<1024xf32> to vector<1024x1xf32>
    %convert_element_type3A_30 = arith.truncf %exp3A : vector<1024x2048xf32> to vector<1024x2048xbf16>
    %get3A_31 = arith.constant 0 : index
    %get3A_32 = arith.constant 0 : index
    %get3A_33 = vector.load %arg10[%get3A_31, %get3A_32] : memref<2048x64xbf16, #tpu.memory_space<vmem>>, vector<2048x64xbf16>
    %dot_general3A_34 = arith.constant dense<0.000000e+00> : vector<1024x64xf32>
    %dot_general3A_35 = tpu.matmul %convert_element_type3A_30, %get3A_33, %dot_general3A_34 {dimension_numbers = #tpu.dot_dimension_numbers<[1], [0], [0], [1], [0, 0, 1, 1], [], []>, transpose_lhs_hint = false} : vector<1024x2048xbf16>, vector<2048x64xbf16>, vector<1024x64xf32> -> vector<1024x64xf32>
    %div3A = vector.broadcast %broadcast_in_dim3A_29 : vector<1024x1xf32> to vector<1024x64xf32>
    %div3A_36 = arith.divf %dot_general3A_35, %div3A : vector<1024x64xf32>
    %convert_element_type3A_37 = arith.truncf %div3A_36 : vector<1024x64xf32> to vector<1024x64xbf16>
    %swap3A = arith.constant 0 : index
    %swap3A_38 = arith.constant 0 : index
    %swap3A_39 = arith.constant 0 : index
    %swap3A_40 = vector.load %arg7[%swap3A, %swap3A_38, %swap3A_39] : memref<1x1024x64xbf16, #tpu.memory_space<vmem>>, vector<1x1024x64xbf16>
    %swap3A_41 = vector.shape_cast %swap3A_40 : vector<1x1024x64xbf16> to vector<1024x64xbf16>
    %swap3A_42 = vector.shape_cast %convert_element_type3A_37 : vector<1024x64xbf16> to vector<1x1024x64xbf16>
    tpu.vector_store %arg7[%swap3A, %swap3A_38, %swap3A_39], %swap3A_42 {strides = array<i32>} : memref<1x1024x64xbf16, #tpu.memory_space<vmem>>, vector<1x1024x64xbf16>,
    return
  }
  func.func @transform_0(%arg0: i32, %arg1: i32) -> (i32, i32) {
    %c0_i32 = arith.constant 0 : i32
    %c0_i32_0 = arith.constant 0 : i32
    %c0_i32_1 = arith.constant 0 : i32
    return %c0_i32, %c0_i32_0 : i32, i32
  }
  func.func @transform_1(%arg0: i32, %arg1: i32) -> (i32, i32) {
    %c0_i32 = arith.constant 0 : i32
    %c0_i32_0 = arith.constant 0 : i32
    %c0_i32_1 = arith.constant 0 : i32
    return %c0_i32, %c0_i32_0 : i32, i32
  }
  func.func @transform_2(%arg0: i32, %arg1: i32) -> (i32, i32) {
    %c0_i32 = arith.constant 0 : i32
    %c0_i32_0 = arith.constant 0 : i32
    return %arg0, %c0_i32 : i32, i32
  }
  func.func @transform_3(%arg0: i32, %arg1: i32) -> (i32, i32) {
    %c0_i32 = arith.constant 0 : i32
    %c0_i32_0 = arith.constant 0 : i32
    return %arg0, %c0_i32 : i32, i32
  }
  func.func @transform_4(%arg0: i32, %arg1: i32) -> (i32, i32) {
    %c0_i32 = arith.constant 0 : i32
    %c0_i32_0 = arith.constant 0 : i32
    return %arg0, %c0_i32 : i32, i32
  }
  func.func @transform_5(%arg0: i32, %arg1: i32) -> (i32, i32, i32) {
    %c0_i32 = arith.constant 0 : i32
    %c0_i32_0 = arith.constant 0 : i32
    return %arg0, %arg1, %c0_i32 : i32, i32, i32
  }
}

module attributes {stable_mosaic.version = 14 : i64} {
  func.func @_ffn_body(%arg0: i32, %arg1: memref<24xi32, #tpu.memory_space<smem>>, %arg2: memref<256x768xf32, #tpu.memory_space<vmem>>, %arg3: memref<1x2048x768xf32, #tpu.memory_space<vmem>>, %arg4: memref<1x768x2048xf32, #tpu.memory_space<vmem>>, %arg5: memref<256x768xf32, #tpu.memory_space<vmem>>) attributes {dimension_semantics = [#tpu.dimension_semantics<arbitrary>], iteration_bounds = array<i64: 24>, scalar_prefetch = 1 : i64, scratch_operands = 0 : i64, tpu.core_type = #tpu.core_type<tc>, window_params = [{transform_indices = @transform_0, window_bounds = array<i64: 256, 768>}, {transform_indices = @transform_1, window_bounds = array<i64: 1, 2048, 768>}, {transform_indices = @transform_2, window_bounds = array<i64: 1, 768, 2048>}, {transform_indices = @transform_3, window_bounds = array<i64: 256, 768>}]} {
    %get3A = arith.constant 0 : index
    %get3A_0 = arith.constant 0 : index
    %get3A_1 = vector.load %arg2[%get3A, %get3A_0] : memref<256x768xf32, #tpu.memory_space<vmem>>, vector<256x768xf32>
    %get3A_2 = arith.constant 0 : index
    %get3A_3 = arith.constant 0 : index
    %get3A_4 = arith.constant 0 : index
    %get3A_5 = vector.load %arg3[%get3A_2, %get3A_3, %get3A_4] : memref<1x2048x768xf32, #tpu.memory_space<vmem>>, vector<1x2048x768xf32>
    %get3A_6 = vector.shape_cast %get3A_5 : vector<1x2048x768xf32> to vector<2048x768xf32>
    %convert_element_type3A = arith.truncf %get3A_1 : vector<256x768xf32> to vector<256x768xbf16>
    %convert_element_type3A_7 = arith.truncf %get3A_6 : vector<2048x768xf32> to vector<2048x768xbf16>
    %dot_general3A = arith.constant dense<0.000000e+00> : vector<256x2048xf32>
    %dot_general3A_8 = tpu.matmul %convert_element_type3A, %convert_element_type3A_7, %dot_general3A {dimension_numbers = #tpu.dot_dimension_numbers<[1], [1], [0], [0], [0, 0, 1, 0], [], []>, transpose_lhs_hint = false} : vector<256x768xbf16>, vector<2048x768xbf16>, vector<256x2048xf32> -> vector<256x2048xf32>
    %logistic3A = arith.negf %dot_general3A_8 : vector<256x2048xf32>
    %logistic3A_9 = math.exp %logistic3A : vector<256x2048xf32>
    %logistic3A_10 = arith.constant 1.000000e+00 : f32
    %logistic3A_11 = vector.broadcast %logistic3A_10 : f32 to vector<256x2048xf32>
    %logistic3A_12 = arith.addf %logistic3A_11, %logistic3A_9 : vector<256x2048xf32>
    %logistic3A_13 = arith.divf %logistic3A_11, %logistic3A_12 : vector<256x2048xf32>
    %mul3A = arith.mulf %dot_general3A_8, %logistic3A_13 : vector<256x2048xf32>
    %get3A_14 = arith.constant 0 : index
    %get3A_15 = arith.constant 0 : index
    %get3A_16 = arith.constant 0 : index
    %get3A_17 = vector.load %arg4[%get3A_14, %get3A_15, %get3A_16] : memref<1x768x2048xf32, #tpu.memory_space<vmem>>, vector<1x768x2048xf32>
    %get3A_18 = vector.shape_cast %get3A_17 : vector<1x768x2048xf32> to vector<768x2048xf32>
    %convert_element_type3A_19 = arith.truncf %mul3A : vector<256x2048xf32> to vector<256x2048xbf16>
    %convert_element_type3A_20 = arith.truncf %get3A_18 : vector<768x2048xf32> to vector<768x2048xbf16>
    %dot_general3A_21 = arith.constant dense<0.000000e+00> : vector<256x768xf32>
    %dot_general3A_22 = tpu.matmul %convert_element_type3A_19, %convert_element_type3A_20, %dot_general3A_21 {dimension_numbers = #tpu.dot_dimension_numbers<[1], [1], [0], [0], [0, 0, 1, 0], [], []>, transpose_lhs_hint = false} : vector<256x2048xbf16>, vector<768x2048xbf16>, vector<256x768xf32> -> vector<256x768xf32>
    %swap3A = arith.constant 0 : index
    %swap3A_23 = arith.constant 0 : index
    %swap3A_24 = vector.load %arg5[%swap3A, %swap3A_23] : memref<256x768xf32, #tpu.memory_space<vmem>>, vector<256x768xf32>
    tpu.vector_store %arg5[%swap3A, %swap3A_23], %dot_general3A_22 {strides = array<i32>} : memref<256x768xf32, #tpu.memory_space<vmem>>, vector<256x768xf32>,
    return
  }
  func.func @transform_0(%arg0: i32, %arg1: memref<24xi32, #tpu.memory_space<smem>>) -> (i32, i32) {
    %c0_i32 = arith.constant 0 : i32
    %c0_i32_0 = arith.constant 0 : i32
    return %arg0, %c0_i32 : i32, i32
  }
  func.func @transform_1(%arg0: i32, %arg1: memref<24xi32, #tpu.memory_space<smem>>) -> (i32, i32, i32) {
    %get3A = arith.index_cast %arg0 : i32 to index
    %get3A_0 = memref.load %arg1[%get3A] : memref<24xi32, #tpu.memory_space<smem>>
    %c0_i32 = arith.constant 0 : i32
    %c0_i32_1 = arith.constant 0 : i32
    %c0_i32_2 = arith.constant 0 : i32
    return %get3A_0, %c0_i32, %c0_i32_1 : i32, i32, i32
  }
  func.func @transform_2(%arg0: i32, %arg1: memref<24xi32, #tpu.memory_space<smem>>) -> (i32, i32, i32) {
    %get3A = arith.index_cast %arg0 : i32 to index
    %get3A_0 = memref.load %arg1[%get3A] : memref<24xi32, #tpu.memory_space<smem>>
    %c0_i32 = arith.constant 0 : i32
    %c0_i32_1 = arith.constant 0 : i32
    %c0_i32_2 = arith.constant 0 : i32
    return %get3A_0, %c0_i32, %c0_i32_1 : i32, i32, i32
  }
  func.func @transform_3(%arg0: i32, %arg1: memref<24xi32, #tpu.memory_space<smem>>) -> (i32, i32) {
    %c0_i32 = arith.constant 0 : i32
    %c0_i32_0 = arith.constant 0 : i32
    return %arg0, %c0_i32 : i32, i32
  }
}

module attributes {stable_mosaic.version = 14 : i64} {
  func.func @_post_body(%arg0: memref<12x2048x64xbf16, #tpu.memory_space<vmem>>, %arg1: memref<2048x768xf32, #tpu.memory_space<vmem>>, %arg2: memref<1x768xf32, #tpu.memory_space<vmem>>, %arg3: memref<768x768xf32, #tpu.memory_space<vmem>>, %arg4: memref<1x768xf32, #tpu.memory_space<vmem>>, %arg5: memref<768x768xf32, #tpu.memory_space<vmem>>, %arg6: memref<128x768xf32, #tpu.memory_space<vmem>>, %arg7: memref<2048x768xf32, #tpu.memory_space<vmem>>, %arg8: memref<2048x768xf32, #tpu.memory_space<vmem>>, %arg9: memref<2048x128xi32, #tpu.memory_space<vmem>>, %arg10: memref<2048x128xf32, #tpu.memory_space<vmem>>, %arg11: memref<128x128xi32, #tpu.memory_space<vmem>>) attributes {dimension_semantics = [], scalar_prefetch = 0 : i64, scratch_operands = 0 : i64, tpu.core_type = #tpu.core_type<tc>} {
    %get3A = arith.constant 0 : index
    %get3A_0 = arith.constant 0 : index
    %get3A_1 = arith.constant 0 : index
    %get3A_2 = vector.load %arg0[%get3A, %get3A_0, %get3A_1] : memref<12x2048x64xbf16, #tpu.memory_space<vmem>>, vector<12x2048x64xbf16>
    %transpose3A = tpu.transpose %get3A_2, [1, 0, 2] : vector<12x2048x64xbf16> -> vector<2048x12x64xbf16>
    %reshape3A = vector.shape_cast %transpose3A : vector<2048x12x64xbf16> to vector<2048x768xbf16>
    %get3A_3 = arith.constant 0 : index
    %get3A_4 = arith.constant 0 : index
    %get3A_5 = vector.load %arg5[%get3A_3, %get3A_4] : memref<768x768xf32, #tpu.memory_space<vmem>>, vector<768x768xf32>
    %convert_element_type3A = arith.truncf %get3A_5 : vector<768x768xf32> to vector<768x768xbf16>
    %dot_general3A = arith.constant dense<0.000000e+00> : vector<2048x768xf32>
    %dot_general3A_6 = tpu.matmul %reshape3A, %convert_element_type3A, %dot_general3A {dimension_numbers = #tpu.dot_dimension_numbers<[1], [1], [0], [0], [0, 0, 1, 0], [], []>, transpose_lhs_hint = false} : vector<2048x768xbf16>, vector<768x768xbf16>, vector<2048x768xf32> -> vector<2048x768xf32>
    %get3A_7 = arith.constant 0 : index
    %get3A_8 = arith.constant 0 : index
    %get3A_9 = vector.load %arg1[%get3A_7, %get3A_8] : memref<2048x768xf32, #tpu.memory_space<vmem>>, vector<2048x768xf32>
    %get3A_10 = arith.constant 0 : index
    %get3A_11 = arith.constant 0 : index
    %get3A_12 = vector.load %arg2[%get3A_10, %get3A_11] : memref<1x768xf32, #tpu.memory_space<vmem>>, vector<1x768xf32>
    %mul3A = arith.mulf %get3A_9, %get3A_9 : vector<2048x768xf32>
    %reduce_sum3A = arith.constant dense<0.000000e+00> : vector<2048xf32>
    %reduce_sum3A_13 = vector.multi_reduction <add>, %mul3A, %reduce_sum3A [1] : vector<2048x768xf32> to vector<2048xf32>
    %broadcast_in_dim3A = vector.shape_cast %reduce_sum3A_13 : vector<2048xf32> to vector<2048x1xf32>
    %div3A = arith.constant 7.680000e+02 : f32
    %div3A_14 = vector.broadcast %div3A : f32 to vector<2048x1xf32>
    %div3A_15 = arith.divf %broadcast_in_dim3A, %div3A_14 : vector<2048x1xf32>
    %add3A = arith.constant 9.99999997E-7 : f32
    %add3A_16 = vector.broadcast %add3A : f32 to vector<2048x1xf32>
    %add3A_17 = arith.addf %div3A_15, %add3A_16 : vector<2048x1xf32>
    %sqrt3A = math.sqrt %add3A_17 : vector<2048x1xf32>
    %div3A_18 = vector.broadcast %sqrt3A : vector<2048x1xf32> to vector<2048x768xf32>
    %div3A_19 = arith.divf %get3A_9, %div3A_18 : vector<2048x768xf32>
    %mul3A_20 = vector.broadcast %get3A_12 : vector<1x768xf32> to vector<2048x768xf32>
    %mul3A_21 = arith.mulf %div3A_19, %mul3A_20 : vector<2048x768xf32>
    %get3A_22 = arith.constant 0 : index
    %get3A_23 = arith.constant 0 : index
    %get3A_24 = vector.load %arg3[%get3A_22, %get3A_23] : memref<768x768xf32, #tpu.memory_space<vmem>>, vector<768x768xf32>
    %convert_element_type3A_25 = arith.truncf %mul3A_21 : vector<2048x768xf32> to vector<2048x768xbf16>
    %convert_element_type3A_26 = arith.truncf %get3A_24 : vector<768x768xf32> to vector<768x768xbf16>
    %dot_general3A_27 = arith.constant dense<0.000000e+00> : vector<2048x768xf32>
    %dot_general3A_28 = tpu.matmul %convert_element_type3A_25, %convert_element_type3A_26, %dot_general3A_27 {dimension_numbers = #tpu.dot_dimension_numbers<[1], [1], [0], [0], [0, 0, 1, 0], [], []>, transpose_lhs_hint = false} : vector<2048x768xbf16>, vector<768x768xbf16>, vector<2048x768xf32> -> vector<2048x768xf32>
    %logistic3A = arith.negf %dot_general3A_28 : vector<2048x768xf32>
    %logistic3A_29 = math.exp %logistic3A : vector<2048x768xf32>
    %logistic3A_30 = arith.constant 1.000000e+00 : f32
    %logistic3A_31 = vector.broadcast %logistic3A_30 : f32 to vector<2048x768xf32>
    %logistic3A_32 = arith.addf %logistic3A_31, %logistic3A_29 : vector<2048x768xf32>
    %logistic3A_33 = arith.divf %logistic3A_31, %logistic3A_32 : vector<2048x768xf32>
    %get3A_34 = arith.constant 0 : index
    %get3A_35 = arith.constant 0 : index
    %get3A_36 = vector.load %arg1[%get3A_34, %get3A_35] : memref<2048x768xf32, #tpu.memory_space<vmem>>, vector<2048x768xf32>
    %mul3A_37 = arith.mulf %dot_general3A_6, %logistic3A_33 : vector<2048x768xf32>
    %add3A_38 = arith.addf %get3A_36, %mul3A_37 : vector<2048x768xf32>
    %swap3A = arith.constant 0 : index
    %swap3A_39 = arith.constant 0 : index
    %swap3A_40 = vector.load %arg7[%swap3A, %swap3A_39] : memref<2048x768xf32, #tpu.memory_space<vmem>>, vector<2048x768xf32>
    tpu.vector_store %arg7[%swap3A, %swap3A_39], %add3A_38 {strides = array<i32>} : memref<2048x768xf32, #tpu.memory_space<vmem>>, vector<2048x768xf32>,
    %get3A_41 = arith.constant 0 : index
    %get3A_42 = arith.constant 0 : index
    %get3A_43 = vector.load %arg4[%get3A_41, %get3A_42] : memref<1x768xf32, #tpu.memory_space<vmem>>, vector<1x768xf32>
    %mul3A_44 = arith.mulf %add3A_38, %add3A_38 : vector<2048x768xf32>
    %reduce_sum3A_45 = arith.constant dense<0.000000e+00> : vector<2048xf32>
    %reduce_sum3A_46 = vector.multi_reduction <add>, %mul3A_44, %reduce_sum3A_45 [1] : vector<2048x768xf32> to vector<2048xf32>
    %broadcast_in_dim3A_47 = vector.shape_cast %reduce_sum3A_46 : vector<2048xf32> to vector<2048x1xf32>
    %div3A_48 = arith.constant 7.680000e+02 : f32
    %div3A_49 = vector.broadcast %div3A_48 : f32 to vector<2048x1xf32>
    %div3A_50 = arith.divf %broadcast_in_dim3A_47, %div3A_49 : vector<2048x1xf32>
    %add3A_51 = arith.constant 9.99999997E-7 : f32
    %add3A_52 = vector.broadcast %add3A_51 : f32 to vector<2048x1xf32>
    %add3A_53 = arith.addf %div3A_50, %add3A_52 : vector<2048x1xf32>
    %sqrt3A_54 = math.sqrt %add3A_53 : vector<2048x1xf32>
    %div3A_55 = vector.broadcast %sqrt3A_54 : vector<2048x1xf32> to vector<2048x768xf32>
    %div3A_56 = arith.divf %add3A_38, %div3A_55 : vector<2048x768xf32>
    %mul3A_57 = vector.broadcast %get3A_43 : vector<1x768xf32> to vector<2048x768xf32>
    %mul3A_58 = arith.mulf %div3A_56, %mul3A_57 : vector<2048x768xf32>
    %swap3A_59 = arith.constant 0 : index
    %swap3A_60 = arith.constant 0 : index
    %swap3A_61 = vector.load %arg8[%swap3A_59, %swap3A_60] : memref<2048x768xf32, #tpu.memory_space<vmem>>, vector<2048x768xf32>
    tpu.vector_store %arg8[%swap3A_59, %swap3A_60], %mul3A_58 {strides = array<i32>} : memref<2048x768xf32, #tpu.memory_space<vmem>>, vector<2048x768xf32>,
    %get3A_62 = arith.constant 0 : index
    %get3A_63 = arith.constant 0 : index
    %get3A_64 = vector.load %arg6[%get3A_62, %get3A_63] : memref<128x768xf32, #tpu.memory_space<vmem>>, vector<128x768xf32>
    %convert_element_type3A_65 = arith.truncf %mul3A_58 : vector<2048x768xf32> to vector<2048x768xbf16>
    %convert_element_type3A_66 = arith.truncf %get3A_64 : vector<128x768xf32> to vector<128x768xbf16>
    %dot_general3A_67 = arith.constant dense<0.000000e+00> : vector<2048x128xf32>
    %dot_general3A_68 = tpu.matmul %convert_element_type3A_65, %convert_element_type3A_66, %dot_general3A_67 {dimension_numbers = #tpu.dot_dimension_numbers<[1], [1], [0], [0], [0, 0, 1, 0], [], []>, transpose_lhs_hint = false} : vector<2048x768xbf16>, vector<128x768xbf16>, vector<2048x128xf32> -> vector<2048x128xf32>
    %iota3A = tpu.iota {dimensions = array<i32: 1>} : vector<2048x128xi32>
    %lt3A = arith.constant 8 : i32
    %lt3A_69 = vector.broadcast %lt3A : i32 to vector<2048x128xi32>
    %lt3A_70 = arith.cmpi slt, %iota3A, %lt3A_69 : vector<2048x128xi32>
    %jit3A = arith.constant -1.000000e+30 : f32
    %broadcast_in_dim3A_71 = vector.broadcast %jit3A : f32 to vector<2048x128xf32>
    %select_n3A = arith.select %lt3A_70, %dot_general3A_68, %broadcast_in_dim3A_71 : vector<2048x128xi1>, vector<2048x128xf32>
    %reduce_max3A = arith.constant dense<0xFF800000> : vector<2048xf32>
    %reduce_max3A_72 = vector.multi_reduction <maximumf>, %select_n3A, %reduce_max3A [1] : vector<2048x128xf32> to vector<2048xf32>
    %broadcast_in_dim3A_73 = vector.shape_cast %reduce_max3A_72 : vector<2048xf32> to vector<2048x1xf32>
    %eq3A = vector.broadcast %broadcast_in_dim3A_73 : vector<2048x1xf32> to vector<2048x128xf32>
    %eq3A_74 = arith.cmpf oeq, %select_n3A, %eq3A : vector<2048x128xf32>
    %jit3A_75 = arith.constant 127 : i32
    %broadcast_in_dim3A_76 = vector.broadcast %jit3A_75 : i32 to vector<2048x128xi32>
    %select_n3A_77 = arith.select %eq3A_74, %iota3A, %broadcast_in_dim3A_76 : vector<2048x128xi1>, vector<2048x128xi32>
    %reduce_min3A = arith.constant dense<2147483647> : vector<2048xi32>
    %reduce_min3A_78 = vector.multi_reduction <minsi>, %select_n3A_77, %reduce_min3A [1] : vector<2048x128xi32> to vector<2048xi32>
    %broadcast_in_dim3A_79 = vector.shape_cast %reduce_min3A_78 : vector<2048xi32> to vector<2048x1xi32>
    %eq3A_80 = vector.broadcast %broadcast_in_dim3A_79 : vector<2048x1xi32> to vector<2048x128xi32>
    %eq3A_81 = arith.cmpi eq, %iota3A, %eq3A_80 : vector<2048x128xi32>
    %jit3A_82 = arith.constant -1.000000e+30 : f32
    %broadcast_in_dim3A_83 = vector.broadcast %jit3A_82 : f32 to vector<2048x128xf32>
    %select_n3A_84 = arith.select %eq3A_81, %broadcast_in_dim3A_83, %select_n3A : vector<2048x128xi1>, vector<2048x128xf32>
    %reduce_max3A_85 = arith.constant dense<0xFF800000> : vector<2048xf32>
    %reduce_max3A_86 = vector.multi_reduction <maximumf>, %select_n3A_84, %reduce_max3A_85 [1] : vector<2048x128xf32> to vector<2048xf32>
    %broadcast_in_dim3A_87 = vector.shape_cast %reduce_max3A_86 : vector<2048xf32> to vector<2048x1xf32>
    %eq3A_88 = vector.broadcast %broadcast_in_dim3A_87 : vector<2048x1xf32> to vector<2048x128xf32>
    %eq3A_89 = arith.cmpf oeq, %select_n3A_84, %eq3A_88 : vector<2048x128xf32>
    %jit3A_90 = arith.constant 127 : i32
    %broadcast_in_dim3A_91 = vector.broadcast %jit3A_90 : i32 to vector<2048x128xi32>
    %select_n3A_92 = arith.select %eq3A_89, %iota3A, %broadcast_in_dim3A_91 : vector<2048x128xi1>, vector<2048x128xi32>
    %reduce_min3A_93 = arith.constant dense<2147483647> : vector<2048xi32>
    %reduce_min3A_94 = vector.multi_reduction <minsi>, %select_n3A_92, %reduce_min3A_93 [1] : vector<2048x128xi32> to vector<2048xi32>
    %broadcast_in_dim3A_95 = vector.shape_cast %reduce_min3A_94 : vector<2048xi32> to vector<2048x1xi32>
    %sub3A = arith.subf %broadcast_in_dim3A_87, %broadcast_in_dim3A_73 : vector<2048x1xf32>
    %exp3A = math.exp %sub3A : vector<2048x1xf32>
    %add3A_96 = arith.constant 1.000000e+00 : f32
    %add3A_97 = vector.broadcast %add3A_96 : f32 to vector<2048x1xf32>
    %add3A_98 = arith.addf %add3A_97, %exp3A : vector<2048x1xf32>
    %div3A_99 = arith.constant 1.000000e+00 : f32
    %div3A_100 = vector.broadcast %div3A_99 : f32 to vector<2048x1xf32>
    %div3A_101 = arith.divf %div3A_100, %add3A_98 : vector<2048x1xf32>
    %add3A_102 = arith.constant 1.000000e+00 : f32
    %add3A_103 = vector.broadcast %add3A_102 : f32 to vector<2048x1xf32>
    %add3A_104 = arith.addf %add3A_103, %exp3A : vector<2048x1xf32>
    %div3A_105 = arith.divf %exp3A, %add3A_104 : vector<2048x1xf32>
    %eq3A_106 = vector.broadcast %broadcast_in_dim3A_79 : vector<2048x1xi32> to vector<2048x128xi32>
    %eq3A_107 = arith.cmpi eq, %iota3A, %eq3A_106 : vector<2048x128xi32>
    %convert_element_type3A_108 = arith.extui %eq3A_107 : vector<2048x128xi1> to vector<2048x128xi32>
    %eq3A_109 = vector.broadcast %broadcast_in_dim3A_95 : vector<2048x1xi32> to vector<2048x128xi32>
    %eq3A_110 = arith.cmpi eq, %iota3A, %eq3A_109 : vector<2048x128xi32>
    %convert_element_type3A_111 = arith.extui %eq3A_110 : vector<2048x128xi1> to vector<2048x128xi32>
    %broadcast_in_dim3A_112 = arith.constant 0 : i32
    %broadcast_in_dim3A_113 = vector.broadcast %broadcast_in_dim3A_112 : i32 to vector<1x128xi32>
    %slice3A = vector.extract_strided_slice %convert_element_type3A_108 {offsets = [0, 0], sizes = [2047, 128], strides = [1, 1]} : vector<2048x128xi32> to vector<2047x128xi32>
    %concatenate3A = tpu.concatenate %broadcast_in_dim3A_113, %slice3A in 0 : vector<1x128xi32>, vector<2047x128xi32> -> vector<2048x128xi32>
    %broadcast_in_dim3A_114 = arith.constant 0 : i32
    %broadcast_in_dim3A_115 = vector.broadcast %broadcast_in_dim3A_114 : i32 to vector<1x128xi32>
    %slice3A_116 = vector.extract_strided_slice %concatenate3A {offsets = [0, 0], sizes = [2047, 128], strides = [1, 1]} : vector<2048x128xi32> to vector<2047x128xi32>
    %concatenate3A_117 = tpu.concatenate %broadcast_in_dim3A_115, %slice3A_116 in 0 : vector<1x128xi32>, vector<2047x128xi32> -> vector<2048x128xi32>
    %add3A_118 = arith.addi %concatenate3A, %concatenate3A_117 : vector<2048x128xi32>
    %broadcast_in_dim3A_119 = arith.constant 0 : i32
    %broadcast_in_dim3A_120 = vector.broadcast %broadcast_in_dim3A_119 : i32 to vector<2x128xi32>
    %slice3A_121 = vector.extract_strided_slice %add3A_118 {offsets = [0, 0], sizes = [2046, 128], strides = [1, 1]} : vector<2048x128xi32> to vector<2046x128xi32>
    %concatenate3A_122 = tpu.concatenate %broadcast_in_dim3A_120, %slice3A_121 in 0 : vector<2x128xi32>, vector<2046x128xi32> -> vector<2048x128xi32>
    %add3A_123 = arith.addi %add3A_118, %concatenate3A_122 : vector<2048x128xi32>
    %broadcast_in_dim3A_124 = arith.constant 0 : i32
    %broadcast_in_dim3A_125 = vector.broadcast %broadcast_in_dim3A_124 : i32 to vector<4x128xi32>
    %slice3A_126 = vector.extract_strided_slice %add3A_123 {offsets = [0, 0], sizes = [2044, 128], strides = [1, 1]} : vector<2048x128xi32> to vector<2044x128xi32>
    %concatenate3A_127 = tpu.concatenate %broadcast_in_dim3A_125, %slice3A_126 in 0 : vector<4x128xi32>, vector<2044x128xi32> -> vector<2048x128xi32>
    %add3A_128 = arith.addi %add3A_123, %concatenate3A_127 : vector<2048x128xi32>
    %broadcast_in_dim3A_129 = arith.constant 0 : i32
    %broadcast_in_dim3A_130 = vector.broadcast %broadcast_in_dim3A_129 : i32 to vector<8x128xi32>
    %slice3A_131 = vector.extract_strided_slice %add3A_128 {offsets = [0, 0], sizes = [2040, 128], strides = [1, 1]} : vector<2048x128xi32> to vector<2040x128xi32>
    %concatenate3A_132 = tpu.concatenate %broadcast_in_dim3A_130, %slice3A_131 in 0 : vector<8x128xi32>, vector<2040x128xi32> -> vector<2048x128xi32>
    %add3A_133 = arith.addi %add3A_128, %concatenate3A_132 : vector<2048x128xi32>
    %broadcast_in_dim3A_134 = arith.constant 0 : i32
    %broadcast_in_dim3A_135 = vector.broadcast %broadcast_in_dim3A_134 : i32 to vector<16x128xi32>
    %slice3A_136 = vector.extract_strided_slice %add3A_133 {offsets = [0, 0], sizes = [2032, 128], strides = [1, 1]} : vector<2048x128xi32> to vector<2032x128xi32>
    %concatenate3A_137 = tpu.concatenate %broadcast_in_dim3A_135, %slice3A_136 in 0 : vector<16x128xi32>, vector<2032x128xi32> -> vector<2048x128xi32>
    %add3A_138 = arith.addi %add3A_133, %concatenate3A_137 : vector<2048x128xi32>
    %broadcast_in_dim3A_139 = arith.constant 0 : i32
    %broadcast_in_dim3A_140 = vector.broadcast %broadcast_in_dim3A_139 : i32 to vector<32x128xi32>
    %slice3A_141 = vector.extract_strided_slice %add3A_138 {offsets = [0, 0], sizes = [2016, 128], strides = [1, 1]} : vector<2048x128xi32> to vector<2016x128xi32>
    %concatenate3A_142 = tpu.concatenate %broadcast_in_dim3A_140, %slice3A_141 in 0 : vector<32x128xi32>, vector<2016x128xi32> -> vector<2048x128xi32>
    %add3A_143 = arith.addi %add3A_138, %concatenate3A_142 : vector<2048x128xi32>
    %broadcast_in_dim3A_144 = arith.constant 0 : i32
    %broadcast_in_dim3A_145 = vector.broadcast %broadcast_in_dim3A_144 : i32 to vector<64x128xi32>
    %slice3A_146 = vector.extract_strided_slice %add3A_143 {offsets = [0, 0], sizes = [1984, 128], strides = [1, 1]} : vector<2048x128xi32> to vector<1984x128xi32>
    %concatenate3A_147 = tpu.concatenate %broadcast_in_dim3A_145, %slice3A_146 in 0 : vector<64x128xi32>, vector<1984x128xi32> -> vector<2048x128xi32>
    %add3A_148 = arith.addi %add3A_143, %concatenate3A_147 : vector<2048x128xi32>
    %broadcast_in_dim3A_149 = arith.constant 0 : i32
    %broadcast_in_dim3A_150 = vector.broadcast %broadcast_in_dim3A_149 : i32 to vector<128x128xi32>
    %slice3A_151 = vector.extract_strided_slice %add3A_148 {offsets = [0, 0], sizes = [1920, 128], strides = [1, 1]} : vector<2048x128xi32> to vector<1920x128xi32>
    %concatenate3A_152 = tpu.concatenate %broadcast_in_dim3A_150, %slice3A_151 in 0 : vector<128x128xi32>, vector<1920x128xi32> -> vector<2048x128xi32>
    %add3A_153 = arith.addi %add3A_148, %concatenate3A_152 : vector<2048x128xi32>
    %broadcast_in_dim3A_154 = arith.constant 0 : i32
    %broadcast_in_dim3A_155 = vector.broadcast %broadcast_in_dim3A_154 : i32 to vector<256x128xi32>
    %slice3A_156 = vector.extract_strided_slice %add3A_153 {offsets = [0, 0], sizes = [1792, 128], strides = [1, 1]} : vector<2048x128xi32> to vector<1792x128xi32>
    %concatenate3A_157 = tpu.concatenate %broadcast_in_dim3A_155, %slice3A_156 in 0 : vector<256x128xi32>, vector<1792x128xi32> -> vector<2048x128xi32>
    %add3A_158 = arith.addi %add3A_153, %concatenate3A_157 : vector<2048x128xi32>
    %broadcast_in_dim3A_159 = arith.constant 0 : i32
    %broadcast_in_dim3A_160 = vector.broadcast %broadcast_in_dim3A_159 : i32 to vector<512x128xi32>
    %slice3A_161 = vector.extract_strided_slice %add3A_158 {offsets = [0, 0], sizes = [1536, 128], strides = [1, 1]} : vector<2048x128xi32> to vector<1536x128xi32>
    %concatenate3A_162 = tpu.concatenate %broadcast_in_dim3A_160, %slice3A_161 in 0 : vector<512x128xi32>, vector<1536x128xi32> -> vector<2048x128xi32>
    %add3A_163 = arith.addi %add3A_158, %concatenate3A_162 : vector<2048x128xi32>
    %broadcast_in_dim3A_164 = arith.constant 0 : i32
    %broadcast_in_dim3A_165 = vector.broadcast %broadcast_in_dim3A_164 : i32 to vector<1024x128xi32>
    %slice3A_166 = vector.extract_strided_slice %add3A_163 {offsets = [0, 0], sizes = [1024, 128], strides = [1, 1]} : vector<2048x128xi32> to vector<1024x128xi32>
    %concatenate3A_167 = tpu.concatenate %broadcast_in_dim3A_165, %slice3A_166 in 0 : vector<1024x128xi32>, vector<1024x128xi32> -> vector<2048x128xi32>
    %add3A_168 = arith.addi %add3A_163, %concatenate3A_167 : vector<2048x128xi32>
    %broadcast_in_dim3A_169 = arith.constant 0 : i32
    %broadcast_in_dim3A_170 = vector.broadcast %broadcast_in_dim3A_169 : i32 to vector<1x128xi32>
    %slice3A_171 = vector.extract_strided_slice %convert_element_type3A_111 {offsets = [0, 0], sizes = [2047, 128], strides = [1, 1]} : vector<2048x128xi32> to vector<2047x128xi32>
    %concatenate3A_172 = tpu.concatenate %broadcast_in_dim3A_170, %slice3A_171 in 0 : vector<1x128xi32>, vector<2047x128xi32> -> vector<2048x128xi32>
    %broadcast_in_dim3A_173 = arith.constant 0 : i32
    %broadcast_in_dim3A_174 = vector.broadcast %broadcast_in_dim3A_173 : i32 to vector<1x128xi32>
    %slice3A_175 = vector.extract_strided_slice %concatenate3A_172 {offsets = [0, 0], sizes = [2047, 128], strides = [1, 1]} : vector<2048x128xi32> to vector<2047x128xi32>
    %concatenate3A_176 = tpu.concatenate %broadcast_in_dim3A_174, %slice3A_175 in 0 : vector<1x128xi32>, vector<2047x128xi32> -> vector<2048x128xi32>
    %add3A_177 = arith.addi %concatenate3A_172, %concatenate3A_176 : vector<2048x128xi32>
    %broadcast_in_dim3A_178 = arith.constant 0 : i32
    %broadcast_in_dim3A_179 = vector.broadcast %broadcast_in_dim3A_178 : i32 to vector<2x128xi32>
    %slice3A_180 = vector.extract_strided_slice %add3A_177 {offsets = [0, 0], sizes = [2046, 128], strides = [1, 1]} : vector<2048x128xi32> to vector<2046x128xi32>
    %concatenate3A_181 = tpu.concatenate %broadcast_in_dim3A_179, %slice3A_180 in 0 : vector<2x128xi32>, vector<2046x128xi32> -> vector<2048x128xi32>
    %add3A_182 = arith.addi %add3A_177, %concatenate3A_181 : vector<2048x128xi32>
    %broadcast_in_dim3A_183 = arith.constant 0 : i32
    %broadcast_in_dim3A_184 = vector.broadcast %broadcast_in_dim3A_183 : i32 to vector<4x128xi32>
    %slice3A_185 = vector.extract_strided_slice %add3A_182 {offsets = [0, 0], sizes = [2044, 128], strides = [1, 1]} : vector<2048x128xi32> to vector<2044x128xi32>
    %concatenate3A_186 = tpu.concatenate %broadcast_in_dim3A_184, %slice3A_185 in 0 : vector<4x128xi32>, vector<2044x128xi32> -> vector<2048x128xi32>
    %add3A_187 = arith.addi %add3A_182, %concatenate3A_186 : vector<2048x128xi32>
    %broadcast_in_dim3A_188 = arith.constant 0 : i32
    %broadcast_in_dim3A_189 = vector.broadcast %broadcast_in_dim3A_188 : i32 to vector<8x128xi32>
    %slice3A_190 = vector.extract_strided_slice %add3A_187 {offsets = [0, 0], sizes = [2040, 128], strides = [1, 1]} : vector<2048x128xi32> to vector<2040x128xi32>
    %concatenate3A_191 = tpu.concatenate %broadcast_in_dim3A_189, %slice3A_190 in 0 : vector<8x128xi32>, vector<2040x128xi32> -> vector<2048x128xi32>
    %add3A_192 = arith.addi %add3A_187, %concatenate3A_191 : vector<2048x128xi32>
    %broadcast_in_dim3A_193 = arith.constant 0 : i32
    %broadcast_in_dim3A_194 = vector.broadcast %broadcast_in_dim3A_193 : i32 to vector<16x128xi32>
    %slice3A_195 = vector.extract_strided_slice %add3A_192 {offsets = [0, 0], sizes = [2032, 128], strides = [1, 1]} : vector<2048x128xi32> to vector<2032x128xi32>
    %concatenate3A_196 = tpu.concatenate %broadcast_in_dim3A_194, %slice3A_195 in 0 : vector<16x128xi32>, vector<2032x128xi32> -> vector<2048x128xi32>
    %add3A_197 = arith.addi %add3A_192, %concatenate3A_196 : vector<2048x128xi32>
    %broadcast_in_dim3A_198 = arith.constant 0 : i32
    %broadcast_in_dim3A_199 = vector.broadcast %broadcast_in_dim3A_198 : i32 to vector<32x128xi32>
    %slice3A_200 = vector.extract_strided_slice %add3A_197 {offsets = [0, 0], sizes = [2016, 128], strides = [1, 1]} : vector<2048x128xi32> to vector<2016x128xi32>
    %concatenate3A_201 = tpu.concatenate %broadcast_in_dim3A_199, %slice3A_200 in 0 : vector<32x128xi32>, vector<2016x128xi32> -> vector<2048x128xi32>
    %add3A_202 = arith.addi %add3A_197, %concatenate3A_201 : vector<2048x128xi32>
    %broadcast_in_dim3A_203 = arith.constant 0 : i32
    %broadcast_in_dim3A_204 = vector.broadcast %broadcast_in_dim3A_203 : i32 to vector<64x128xi32>
    %slice3A_205 = vector.extract_strided_slice %add3A_202 {offsets = [0, 0], sizes = [1984, 128], strides = [1, 1]} : vector<2048x128xi32> to vector<1984x128xi32>
    %concatenate3A_206 = tpu.concatenate %broadcast_in_dim3A_204, %slice3A_205 in 0 : vector<64x128xi32>, vector<1984x128xi32> -> vector<2048x128xi32>
    %add3A_207 = arith.addi %add3A_202, %concatenate3A_206 : vector<2048x128xi32>
    %broadcast_in_dim3A_208 = arith.constant 0 : i32
    %broadcast_in_dim3A_209 = vector.broadcast %broadcast_in_dim3A_208 : i32 to vector<128x128xi32>
    %slice3A_210 = vector.extract_strided_slice %add3A_207 {offsets = [0, 0], sizes = [1920, 128], strides = [1, 1]} : vector<2048x128xi32> to vector<1920x128xi32>
    %concatenate3A_211 = tpu.concatenate %broadcast_in_dim3A_209, %slice3A_210 in 0 : vector<128x128xi32>, vector<1920x128xi32> -> vector<2048x128xi32>
    %add3A_212 = arith.addi %add3A_207, %concatenate3A_211 : vector<2048x128xi32>
    %broadcast_in_dim3A_213 = arith.constant 0 : i32
    %broadcast_in_dim3A_214 = vector.broadcast %broadcast_in_dim3A_213 : i32 to vector<256x128xi32>
    %slice3A_215 = vector.extract_strided_slice %add3A_212 {offsets = [0, 0], sizes = [1792, 128], strides = [1, 1]} : vector<2048x128xi32> to vector<1792x128xi32>
    %concatenate3A_216 = tpu.concatenate %broadcast_in_dim3A_214, %slice3A_215 in 0 : vector<256x128xi32>, vector<1792x128xi32> -> vector<2048x128xi32>
    %add3A_217 = arith.addi %add3A_212, %concatenate3A_216 : vector<2048x128xi32>
    %broadcast_in_dim3A_218 = arith.constant 0 : i32
    %broadcast_in_dim3A_219 = vector.broadcast %broadcast_in_dim3A_218 : i32 to vector<512x128xi32>
    %slice3A_220 = vector.extract_strided_slice %add3A_217 {offsets = [0, 0], sizes = [1536, 128], strides = [1, 1]} : vector<2048x128xi32> to vector<1536x128xi32>
    %concatenate3A_221 = tpu.concatenate %broadcast_in_dim3A_219, %slice3A_220 in 0 : vector<512x128xi32>, vector<1536x128xi32> -> vector<2048x128xi32>
    %add3A_222 = arith.addi %add3A_217, %concatenate3A_221 : vector<2048x128xi32>
    %broadcast_in_dim3A_223 = arith.constant 0 : i32
    %broadcast_in_dim3A_224 = vector.broadcast %broadcast_in_dim3A_223 : i32 to vector<1024x128xi32>
    %slice3A_225 = vector.extract_strided_slice %add3A_222 {offsets = [0, 0], sizes = [1024, 128], strides = [1, 1]} : vector<2048x128xi32> to vector<1024x128xi32>
    %concatenate3A_226 = tpu.concatenate %broadcast_in_dim3A_224, %slice3A_225 in 0 : vector<1024x128xi32>, vector<1024x128xi32> -> vector<2048x128xi32>
    %add3A_227 = arith.addi %add3A_222, %concatenate3A_226 : vector<2048x128xi32>
    %reduce_sum3A_228 = arith.constant dense<0> : vector<128xi32>
    %reduce_sum3A_229 = vector.multi_reduction <add>, %convert_element_type3A_108, %reduce_sum3A_228 [0] : vector<2048x128xi32> to vector<128xi32>
    %broadcast_in_dim3A_230 = vector.shape_cast %reduce_sum3A_229 : vector<128xi32> to vector<1x128xi32>
    %reduce_sum3A_231 = arith.constant dense<0> : vector<128xi32>
    %reduce_sum3A_232 = vector.multi_reduction <add>, %convert_element_type3A_111, %reduce_sum3A_231 [0] : vector<2048x128xi32> to vector<128xi32>
    %broadcast_in_dim3A_233 = vector.shape_cast %reduce_sum3A_232 : vector<128xi32> to vector<1x128xi32>
    %add3A_234 = arith.addi %broadcast_in_dim3A_230, %broadcast_in_dim3A_233 : vector<1x128xi32>
    %add3A_235 = arith.constant 255 : i32
    %add3A_236 = vector.broadcast %add3A_235 : i32 to vector<1x128xi32>
    %add3A_237 = arith.addi %add3A_234, %add3A_236 : vector<1x128xi32>
    %jit3A_238 = arith.constant 256 : i32
    %div3A_239 = vector.broadcast %jit3A_238 : i32 to vector<1x128xi32>
    %div3A_240 = arith.divsi %add3A_237, %div3A_239 : vector<1x128xi32>
    %sign3A = arith.constant 0 : i32
    %sign3A_241 = vector.broadcast %sign3A : i32 to vector<1x128xi32>
    %sign3A_242 = arith.cmpi sgt, %add3A_237, %sign3A_241 : vector<1x128xi32>
    %sign3A_243 = arith.extui %sign3A_242 : vector<1x128xi1> to vector<1x128xi32>
    %sign3A_244 = arith.constant 0 : i32
    %sign3A_245 = vector.broadcast %sign3A_244 : i32 to vector<1x128xi32>
    %sign3A_246 = arith.cmpi slt, %add3A_237, %sign3A_245 : vector<1x128xi32>
    %sign3A_247 = arith.extui %sign3A_246 : vector<1x128xi1> to vector<1x128xi32>
    %sign3A_248 = arith.subi %sign3A_243, %sign3A_247 : vector<1x128xi32>
    %sign3A_249 = arith.constant 0 : i32
    %sign3A_250 = arith.cmpi sgt, %jit3A_238, %sign3A_249 : i32
    %sign3A_251 = arith.extui %sign3A_250 : i1 to i32
    %sign3A_252 = arith.constant 0 : i32
    %sign3A_253 = arith.cmpi slt, %jit3A_238, %sign3A_252 : i32
    %sign3A_254 = arith.extui %sign3A_253 : i1 to i32
    %sign3A_255 = arith.subi %sign3A_251, %sign3A_254 : i32
    %ne3A = vector.broadcast %sign3A_255 : i32 to vector<1x128xi32>
    %ne3A_256 = arith.cmpi ne, %sign3A_248, %ne3A : vector<1x128xi32>
    %rem3A = vector.broadcast %jit3A_238 : i32 to vector<1x128xi32>
    %rem3A_257 = arith.remsi %add3A_237, %rem3A : vector<1x128xi32>
    %ne3A_258 = arith.constant 0 : i32
    %ne3A_259 = vector.broadcast %ne3A_258 : i32 to vector<1x128xi32>
    %ne3A_260 = arith.cmpi ne, %rem3A_257, %ne3A_259 : vector<1x128xi32>
    %and3A = arith.andi %ne3A_256, %ne3A_260 : vector<1x128xi1>
    %sub3A_261 = arith.constant 1 : i32
    %sub3A_262 = vector.broadcast %sub3A_261 : i32 to vector<1x128xi32>
    %sub3A_263 = arith.subi %div3A_240, %sub3A_262 : vector<1x128xi32>
    %select_n3A_264 = arith.select %and3A, %sub3A_263, %div3A_240 : vector<1x128xi1>, vector<1x128xi32>
    %mul3A_265 = arith.constant 256 : i32
    %mul3A_266 = vector.broadcast %mul3A_265 : i32 to vector<1x128xi32>
    %mul3A_267 = arith.muli %select_n3A_264, %mul3A_266 : vector<1x128xi32>
    %broadcast_in_dim3A_268 = arith.constant 0 : i32
    %broadcast_in_dim3A_269 = vector.broadcast %broadcast_in_dim3A_268 : i32 to vector<1x1xi32>
    %slice3A_270 = vector.extract_strided_slice %mul3A_267 {offsets = [0, 0], sizes = [1, 127], strides = [1, 1]} : vector<1x128xi32> to vector<1x127xi32>
    %concatenate3A_271 = tpu.concatenate %broadcast_in_dim3A_269, %slice3A_270 in 1 : vector<1x1xi32>, vector<1x127xi32> -> vector<1x128xi32>
    %broadcast_in_dim3A_272 = arith.constant 0 : i32
    %broadcast_in_dim3A_273 = vector.broadcast %broadcast_in_dim3A_272 : i32 to vector<1x1xi32>
    %slice3A_274 = vector.extract_strided_slice %concatenate3A_271 {offsets = [0, 0], sizes = [1, 127], strides = [1, 1]} : vector<1x128xi32> to vector<1x127xi32>
    %concatenate3A_275 = tpu.concatenate %broadcast_in_dim3A_273, %slice3A_274 in 1 : vector<1x1xi32>, vector<1x127xi32> -> vector<1x128xi32>
    %add3A_276 = arith.addi %concatenate3A_271, %concatenate3A_275 : vector<1x128xi32>
    %broadcast_in_dim3A_277 = arith.constant 0 : i32
    %broadcast_in_dim3A_278 = vector.broadcast %broadcast_in_dim3A_277 : i32 to vector<1x2xi32>
    %slice3A_279 = vector.extract_strided_slice %add3A_276 {offsets = [0, 0], sizes = [1, 126], strides = [1, 1]} : vector<1x128xi32> to vector<1x126xi32>
    %concatenate3A_280 = tpu.concatenate %broadcast_in_dim3A_278, %slice3A_279 in 1 : vector<1x2xi32>, vector<1x126xi32> -> vector<1x128xi32>
    %add3A_281 = arith.addi %add3A_276, %concatenate3A_280 : vector<1x128xi32>
    %broadcast_in_dim3A_282 = arith.constant 0 : i32
    %broadcast_in_dim3A_283 = vector.broadcast %broadcast_in_dim3A_282 : i32 to vector<1x4xi32>
    %slice3A_284 = vector.extract_strided_slice %add3A_281 {offsets = [0, 0], sizes = [1, 124], strides = [1, 1]} : vector<1x128xi32> to vector<1x124xi32>
    %concatenate3A_285 = tpu.concatenate %broadcast_in_dim3A_283, %slice3A_284 in 1 : vector<1x4xi32>, vector<1x124xi32> -> vector<1x128xi32>
    %add3A_286 = arith.addi %add3A_281, %concatenate3A_285 : vector<1x128xi32>
    %add3A_287 = arith.addi %add3A_286, %mul3A_267 : vector<1x128xi32>
    %add3A_288 = vector.broadcast %add3A_286 : vector<1x128xi32> to vector<2048x128xi32>
    %add3A_289 = arith.addi %add3A_168, %add3A_288 : vector<2048x128xi32>
    %mul3A_290 = arith.muli %convert_element_type3A_108, %add3A_289 : vector<2048x128xi32>
    %reduce_sum3A_291 = arith.constant dense<0> : vector<2048xi32>
    %reduce_sum3A_292 = vector.multi_reduction <add>, %mul3A_290, %reduce_sum3A_291 [1] : vector<2048x128xi32> to vector<2048xi32>
    %broadcast_in_dim3A_293 = vector.shape_cast %reduce_sum3A_292 : vector<2048xi32> to vector<2048x1xi32>
    %add3A_294 = vector.broadcast %broadcast_in_dim3A_230 : vector<1x128xi32> to vector<2048x128xi32>
    %add3A_295 = arith.addi %add3A_227, %add3A_294 : vector<2048x128xi32>
    %add3A_296 = vector.broadcast %add3A_286 : vector<1x128xi32> to vector<2048x128xi32>
    %add3A_297 = arith.addi %add3A_295, %add3A_296 : vector<2048x128xi32>
    %mul3A_298 = arith.muli %convert_element_type3A_111, %add3A_297 : vector<2048x128xi32>
    %reduce_sum3A_299 = arith.constant dense<0> : vector<2048xi32>
    %reduce_sum3A_300 = vector.multi_reduction <add>, %mul3A_298, %reduce_sum3A_299 [1] : vector<2048x128xi32> to vector<2048xi32>
    %broadcast_in_dim3A_301 = vector.shape_cast %reduce_sum3A_300 : vector<2048xi32> to vector<2048x1xi32>
    %eq3A_302 = arith.constant 0 : i32
    %eq3A_303 = vector.broadcast %eq3A_302 : i32 to vector<2048x128xi32>
    %eq3A_304 = arith.cmpi eq, %iota3A, %eq3A_303 : vector<2048x128xi32>
    %eq3A_305 = arith.constant 1 : i32
    %eq3A_306 = vector.broadcast %eq3A_305 : i32 to vector<2048x128xi32>
    %eq3A_307 = arith.cmpi eq, %iota3A, %eq3A_306 : vector<2048x128xi32>
    %jit3A_308 = arith.constant 0 : i32
    %broadcast_in_dim3A_309 = vector.shape_cast %broadcast_in_dim3A_301 : vector<2048x1xi32> to vector<2048x1xi32>
    %broadcast_in_dim3A_310 = vector.broadcast %broadcast_in_dim3A_309 : vector<2048x1xi32> to vector<2048x128xi32>
    %broadcast_in_dim3A_311 = vector.broadcast %jit3A_308 : i32 to vector<2048x128xi32>
    %select_n3A_312 = arith.select %eq3A_307, %broadcast_in_dim3A_310, %broadcast_in_dim3A_311 : vector<2048x128xi1>, vector<2048x128xi32>
    %broadcast_in_dim3A_313 = vector.shape_cast %broadcast_in_dim3A_293 : vector<2048x1xi32> to vector<2048x1xi32>
    %broadcast_in_dim3A_314 = vector.broadcast %broadcast_in_dim3A_313 : vector<2048x1xi32> to vector<2048x128xi32>
    %select_n3A_315 = arith.select %eq3A_304, %broadcast_in_dim3A_314, %select_n3A_312 : vector<2048x128xi1>, vector<2048x128xi32>
    %swap3A_316 = arith.constant 0 : index
    %swap3A_317 = arith.constant 0 : index
    %swap3A_318 = vector.load %arg9[%swap3A_316, %swap3A_317] : memref<2048x128xi32, #tpu.memory_space<vmem>>, vector<2048x128xi32>
    tpu.vector_store %arg9[%swap3A_316, %swap3A_317], %select_n3A_315 {strides = array<i32>} : memref<2048x128xi32, #tpu.memory_space<vmem>>, vector<2048x128xi32>,
    %eq3A_319 = arith.constant 0 : i32
    %eq3A_320 = vector.broadcast %eq3A_319 : i32 to vector<2048x128xi32>
    %eq3A_321 = arith.cmpi eq, %iota3A, %eq3A_320 : vector<2048x128xi32>
    %eq3A_322 = arith.constant 1 : i32
    %eq3A_323 = vector.broadcast %eq3A_322 : i32 to vector<2048x128xi32>
    %eq3A_324 = arith.cmpi eq, %iota3A, %eq3A_323 : vector<2048x128xi32>
    %jit3A_325 = arith.constant 0.000000e+00 : f32
    %broadcast_in_dim3A_326 = vector.shape_cast %div3A_105 : vector<2048x1xf32> to vector<2048x1xf32>
    %broadcast_in_dim3A_327 = vector.broadcast %broadcast_in_dim3A_326 : vector<2048x1xf32> to vector<2048x128xf32>
    %broadcast_in_dim3A_328 = vector.broadcast %jit3A_325 : f32 to vector<2048x128xf32>
    %select_n3A_329 = arith.select %eq3A_324, %broadcast_in_dim3A_327, %broadcast_in_dim3A_328 : vector<2048x128xi1>, vector<2048x128xf32>
    %broadcast_in_dim3A_330 = vector.shape_cast %div3A_101 : vector<2048x1xf32> to vector<2048x1xf32>
    %broadcast_in_dim3A_331 = vector.broadcast %broadcast_in_dim3A_330 : vector<2048x1xf32> to vector<2048x128xf32>
    %select_n3A_332 = arith.select %eq3A_321, %broadcast_in_dim3A_331, %select_n3A_329 : vector<2048x128xi1>, vector<2048x128xf32>
    %swap3A_333 = arith.constant 0 : index
    %swap3A_334 = arith.constant 0 : index
    %swap3A_335 = vector.load %arg10[%swap3A_333, %swap3A_334] : memref<2048x128xf32, #tpu.memory_space<vmem>>, vector<2048x128xf32>
    tpu.vector_store %arg10[%swap3A_333, %swap3A_334], %select_n3A_332 {strides = array<i32>} : memref<2048x128xf32, #tpu.memory_space<vmem>>, vector<2048x128xf32>,
    %iota3A_336 = tpu.iota {dimensions = array<i32: 0>} : vector<128x128xi32>
    %mul3A_337 = arith.constant 256 : i32
    %mul3A_338 = vector.broadcast %mul3A_337 : i32 to vector<128x128xi32>
    %mul3A_339 = arith.muli %iota3A_336, %mul3A_338 : vector<128x128xi32>
    %iota3A_340 = tpu.iota {dimensions = array<i32: 1>} : vector<128x128xi32>
    %lt3A_341 = arith.constant 8 : i32
    %lt3A_342 = vector.broadcast %lt3A_341 : i32 to vector<128x128xi32>
    %lt3A_343 = arith.cmpi slt, %iota3A_340, %lt3A_342 : vector<128x128xi32>
    %ge3A = vector.broadcast %add3A_287 : vector<1x128xi32> to vector<128x128xi32>
    %ge3A_344 = arith.cmpi sge, %mul3A_339, %ge3A : vector<128x128xi32>
    %and3A_345 = arith.andi %lt3A_343, %ge3A_344 : vector<128x128xi1>
    %jit3A_346 = arith.constant 1 : i32
    %jit3A_347 = arith.constant 0 : i32
    %broadcast_in_dim3A_348 = vector.broadcast %jit3A_346 : i32 to vector<128x128xi32>
    %broadcast_in_dim3A_349 = vector.broadcast %jit3A_347 : i32 to vector<128x128xi32>
    %select_n3A_350 = arith.select %and3A_345, %broadcast_in_dim3A_348, %broadcast_in_dim3A_349 : vector<128x128xi1>, vector<128x128xi32>
    %reduce_sum3A_351 = arith.constant dense<0> : vector<128xi32>
    %reduce_sum3A_352 = vector.multi_reduction <add>, %select_n3A_350, %reduce_sum3A_351 [1] : vector<128x128xi32> to vector<128xi32>
    %broadcast_in_dim3A_353 = vector.shape_cast %reduce_sum3A_352 : vector<128xi32> to vector<128x1xi32>
    %min3A = arith.constant 7 : i32
    %min3A_354 = vector.broadcast %min3A : i32 to vector<128x1xi32>
    %min3A_355 = arith.minsi %broadcast_in_dim3A_353, %min3A_354 : vector<128x1xi32>
    %eq3A_356 = arith.constant 0 : i32
    %eq3A_357 = vector.broadcast %eq3A_356 : i32 to vector<128x128xi32>
    %eq3A_358 = arith.cmpi eq, %iota3A_340, %eq3A_357 : vector<128x128xi32>
    %jit3A_359 = arith.constant 0 : i32
    %broadcast_in_dim3A_360 = vector.shape_cast %min3A_355 : vector<128x1xi32> to vector<128x1xi32>
    %broadcast_in_dim3A_361 = vector.broadcast %broadcast_in_dim3A_360 : vector<128x1xi32> to vector<128x128xi32>
    %broadcast_in_dim3A_362 = vector.broadcast %jit3A_359 : i32 to vector<128x128xi32>
    %select_n3A_363 = arith.select %eq3A_358, %broadcast_in_dim3A_361, %broadcast_in_dim3A_362 : vector<128x128xi1>, vector<128x128xi32>
    %swap3A_364 = arith.constant 0 : index
    %swap3A_365 = arith.constant 0 : index
    %swap3A_366 = vector.load %arg11[%swap3A_364, %swap3A_365] : memref<128x128xi32, #tpu.memory_space<vmem>>, vector<128x128xi32>
    tpu.vector_store %arg11[%swap3A_364, %swap3A_365], %select_n3A_363 {strides = array<i32>} : memref<128x128xi32, #tpu.memory_space<vmem>>, vector<128x128xi32>,
    return
  }
}

module attributes {stable_mosaic.version = 14 : i64} {
  func.func @_comb_body(%arg0: i32, %arg1: memref<256x768xf32, #tpu.memory_space<vmem>>, %arg2: memref<256x768xf32, #tpu.memory_space<vmem>>, %arg3: memref<256x768xf32, #tpu.memory_space<vmem>>, %arg4: memref<256x128xf32, #tpu.memory_space<vmem>>, %arg5: memref<256x768xf32, #tpu.memory_space<vmem>>) attributes {dimension_semantics = [#tpu.dimension_semantics<arbitrary>], iteration_bounds = array<i64: 8>, scalar_prefetch = 0 : i64, scratch_operands = 0 : i64, tpu.core_type = #tpu.core_type<tc>, window_params = [{transform_indices = @transform_0, window_bounds = array<i64: 256, 768>}, {transform_indices = @transform_1, window_bounds = array<i64: 256, 768>}, {transform_indices = @transform_2, window_bounds = array<i64: 256, 768>}, {transform_indices = @transform_3, window_bounds = array<i64: 256, 128>}, {transform_indices = @transform_4, window_bounds = array<i64: 256, 768>}]} {
    %get3A = arith.constant 0 : index
    %get3A_0 = arith.constant 0 : index
    %get3A_1 = vector.load %arg1[%get3A, %get3A_0] : memref<256x768xf32, #tpu.memory_space<vmem>>, vector<256x768xf32>
    %get3A_2 = arith.constant 0 : index
    %get3A_3 = arith.constant 0 : index
    %get3A_4 = vector.load %arg4[%get3A_2, %get3A_3] : memref<256x128xf32, #tpu.memory_space<vmem>>, vector<256x1xf32>
    %get3A_5 = arith.constant 0 : index
    %get3A_6 = arith.constant 0 : index
    %get3A_7 = vector.load %arg2[%get3A_5, %get3A_6] : memref<256x768xf32, #tpu.memory_space<vmem>>, vector<256x768xf32>
    %mul3A = vector.broadcast %get3A_4 : vector<256x1xf32> to vector<256x768xf32>
    %mul3A_8 = arith.mulf %mul3A, %get3A_7 : vector<256x768xf32>
    %add3A = arith.addf %get3A_1, %mul3A_8 : vector<256x768xf32>
    %get3A_9 = arith.constant 0 : index
    %get3A_10 = arith.constant 1 : index
    %get3A_11 = vector.load %arg4[%get3A_9, %get3A_10] : memref<256x128xf32, #tpu.memory_space<vmem>>, vector<256x1xf32>
    %get3A_12 = arith.constant 0 : index
    %get3A_13 = arith.constant 0 : index
    %get3A_14 = vector.load %arg3[%get3A_12, %get3A_13] : memref<256x768xf32, #tpu.memory_space<vmem>>, vector<256x768xf32>
    %mul3A_15 = vector.broadcast %get3A_11 : vector<256x1xf32> to vector<256x768xf32>
    %mul3A_16 = arith.mulf %mul3A_15, %get3A_14 : vector<256x768xf32>
    %add3A_17 = arith.addf %add3A, %mul3A_16 : vector<256x768xf32>
    %swap3A = arith.constant 0 : index
    %swap3A_18 = arith.constant 0 : index
    %swap3A_19 = vector.load %arg5[%swap3A, %swap3A_18] : memref<256x768xf32, #tpu.memory_space<vmem>>, vector<256x768xf32>
    tpu.vector_store %arg5[%swap3A, %swap3A_18], %add3A_17 {strides = array<i32>} : memref<256x768xf32, #tpu.memory_space<vmem>>, vector<256x768xf32>,
    return
  }
  func.func @transform_0(%arg0: i32) -> (i32, i32) {
    %c0_i32 = arith.constant 0 : i32
    %c0_i32_0 = arith.constant 0 : i32
    return %arg0, %c0_i32 : i32, i32
  }
  func.func @transform_1(%arg0: i32) -> (i32, i32) {
    %c0_i32 = arith.constant 0 : i32
    %c0_i32_0 = arith.constant 0 : i32
    return %arg0, %c0_i32 : i32, i32
  }
  func.func @transform_2(%arg0: i32) -> (i32, i32) {
    %add3A = arith.constant 8 : i32
    %add3A_0 = arith.addi %arg0, %add3A : i32
    %c0_i32 = arith.constant 0 : i32
    %c0_i32_1 = arith.constant 0 : i32
    return %add3A_0, %c0_i32 : i32, i32
  }
  func.func @transform_3(%arg0: i32) -> (i32, i32) {
    %c0_i32 = arith.constant 0 : i32
    %c0_i32_0 = arith.constant 0 : i32
    return %arg0, %c0_i32 : i32, i32
  }
  func.func @transform_4(%arg0: i32) -> (i32, i32) {
    %c0_i32 = arith.constant 0 : i32
    %c0_i32_0 = arith.constant 0 : i32
    return %arg0, %c0_i32 : i32, i32
  }
}

</mosaic_0001>

<sc_bundles>
// kernel: kernel.11.cloned.1.call-start
scs
__scs_entry_jumppad:
0x0: {  	(pc) =	sbr.rel $0x88, $3  }
0x1: {  	(tag) =	ssettag $0x0;
	lr =	simm.s32 $0x1  }
0x2: {  	[smem:$0x3F96] =	sst lr;
	_ =	strace $0xD0000000  }
0x3: {  	_ = 	snop  }
0x4: {  	_ = 	snop  }
0x5: {  	_ = 	snop  }
0x6: {  	_ = 	snop  }
0x7: {  	_ = 	snop  }
__scs_overlays_trampoline_lowered:
0x8: {  	[smem:$0x3FA5] =	sst s0  }
0x9: {  	[smem:$0x3FA6] =	sst s1  }
0xa: {  	[smem:$0x3FA7] =	sst s2  }
0xb: {  	[smem:$0x3FA8] =	sst s3  }
0xc: {  	[smem:$0x3FA9] =	sst s4  }
0xd: {  	[smem:$0x3FAA] =	sst s5  }
0xe: {  	[smem:$0x3FAB] =	sst s6  }
0xf: {  	[smem:$0x3FAC] =	sst s7  }
0x10: {  	[smem:$0x3FAD] =	sst s8  }
0x11: {  	[smem:$0x3FAE] =	sst s9;
	s0 =	simm.s32 @!p0 $0x0  }
0x12: {  	s1 =	sld [smem:$0x3F94];
	s0 =	simm.s32 @p0 $0x1  }
0x13: {  	[smem:$0x3FAF] =	sst s0;
	s0 =	simm.s32 @!p1 $0x0  }
0x14: {  	s2 =	sld [smem:$0x3F93];
	s0 =	simm.s32 @p1 $0x1  }
0x15: {  	[smem:$0x3FB0] =	sst s0;
	s0 =	simm.s32 @!p2 $0x0  }
0x16: {  	s3 =	sld [smem:$0x3FDB];
	s0 =	simm.s32 @p2 $0x1  }
0x17: {  	s4 =	simm.s32 $0x1BF5;
	[smem:$0x3FB2] =	sst s0  }
0x18: {  	s0 =	sld [smem:$0x3F95];
	_ =	swait.ge [sflag:s4], $0x0  }
0x19: {  	s7 =	sld [smem:$0x3F96]  }
0x1a: {  	s8 =	sadd.s32 $0xFFFFE003, lr  }
0x1b: {  	s9 =	sadd.s32 $0xFFFFFEF7, lr;
	s5 =	simm.s32 $0xFFFFFFFF;
	p2 =	slt.u32 s8, $0xFFFFF086  }
0x1c: {  	p1 =	slt.u32 s9, $0xF7A;
	s5 =	simm.s32 @!p2 $0x0  }
0x1d: {  	s5 =	simm.s32 @p1 $0x1;
	p0 =	seq.s32 s7, s2  }
0x1e: {  	s7 =	smul.u32 @!p0 $0xF7A, s2;
	p2 =	seq.s32 @!p0 s5, $0x0  }
0x1f: {  	s9 =	smul.u32 $0xF7A, s1;
	s8 =	simm.s32 @!p0 $0x1BF5;
	p2 =	por !p2, p0  }
0x20: {  	[sflag:s8] =	ssyncset.s32 @!p0 $0xFFFFF086;
	s6 =	sadd.s32 @!p0 s3, s7;
	s7 =	simm.s32 @!p0 $0x108  }
0x21: {  	s3 =	sadd.s32 s3, s9;
	s6 =	sadd.s32 @!p0 $0x88, s6;
	s7 =	simm.s32 @p2 $0x1082  }
0x22: {  	[simem:s7], [sflag:s8] =	dma.local @!p0 [hbm:s6], $0xF7A  }
0x23: {  	s9 =	sor.u32 $0xD0000000, s2;
	s6 =	simm.s32 $0x108;
	_ =	swait.ge @!p0 [sflag:s8], $0x0  }
0x24: {  	s3 =	sadd.s32 $0x88, s3;
	s6 =	simm.s32 @!p1 $0x1082;
	[sflag:s4] =	ssyncset.s32 $0xFFFFF086  }
0x25: {  	[simem:s6], [sflag:s4] =	dma.local [hbm:s3], $0xF7A  }
0x26: {  	[smem:$0x3F96] =	sst s1;
	(tag) =	ssettag s2;
	_ =	strace s9  }
0x27: {  	s1 =	sld [smem:$0x3FA6]  }
0x28: {  	s2 =	sld [smem:$0x3FA7]  }
0x29: {  	s4 =	sld [smem:$0x3FA9]  }
0x2a: {  	p0 =	seq.s32 s5, $0x0;
	s5 =	sld [smem:$0x3FAA]  }
0x2b: {  	s6 =	sld [smem:$0x3FAB]  }
0x2c: {  	s7 =	sld [smem:$0x3FAC]  }
0x2d: {  	s3 =	simm.s32 $0x108;
	s8 =	sld [smem:$0x3FAD]  }
0x2e: {  	s3 =	simm.s32 @!p0 $0x1082;
	s9 =	sld [smem:$0x3FAE]  }
0x2f: {  	lr =	sadd.s32 s0, s3;
	s0 =	sld [smem:$0x3FA5]  }
0x30: {  	s3 =	sld [smem:$0x3FA8]  }
0x31: {  	[smem:$0x3FB1] =	sst s10  }
0x32: {  	s10 =	sld [smem:$0x3FAF];
	_ =	sdelay $0x3  }
0x33: {  	p0 =	seq.s32 s10, $0x1;
	s10 =	sld [smem:$0x3FB1];
	_ =	sdelay $0x3  }
0x34: {  	[smem:$0x3FB1] =	sst s10  }
0x35: {  	s10 =	sld [smem:$0x3FB0];
	_ =	sdelay $0x3  }
0x36: {  	p1 =	seq.s32 s10, $0x1;
	s10 =	sld [smem:$0x3FB1];
	_ =	sdelay $0x3  }
0x37: {  	[smem:$0x3FB1] =	sst s10  }
0x38: {  	s10 =	sld [smem:$0x3FB2]  }
0x39: {  	_ = 	snop;
	(pc) =	sbr.ind lr, $3  }
0x3a: {  	_ = 	snop  }
0x3b: {  	_ = 	snop  }
0x3c: {  	p2 =	seq.s32 s10, $0x1;
	s10 =	sld [smem:$0x3FB1]  }
0x3d: {  	_ =	shalt  }
0x3e: {  	_ =	shalt  }
0x3f: {  	_ =	shalt  }
0x40: {  	_ =	shalt  }
0x41: {  	_ =	shalt  }
0x42: {  	_ =	shalt  }
0x43: {  	_ =	shalt  }
0x44: {  	_ =	shalt  }
0x45: {  	_ =	shalt  }
0x46: {  	_ =	shalt  }
0x47: {  	_ =	shalt  }
0x48: {  	_ =	shalt  }
0x49: {  	_ =	shalt  }
0x4a: {  	_ =	shalt  }
0x4b: {  	_ =	shalt  }
0x4c: {  	_ =	shalt  }
0x4d: {  	_ =	shalt  }
0x4e: {  	_ =	shalt  }
0x4f: {  	_ =	shalt  }
0x50: {  	_ =	shalt  }
0x51: {  	_ =	shalt  }
0x52: {  	_ =	shalt  }
0x53: {  	_ =	shalt  }
0x54: {  	_ =	shalt  }
0x55: {  	_ =	shalt  }
0x56: {  	_ =	shalt  }
0x57: {  	_ =	shalt  }
0x58: {  	_ =	shalt  }
0x59: {  	_ =	shalt  }
0x5a: {  	_ =	shalt  }
0x5b: {  	_ =	shalt  }
0x5c: {  	_ =	shalt  }
0x5d: {  	_ =	shalt  }
0x5e: {  	_ =	shalt  }
0x5f: {  	_ =	shalt  }
0x60: {  	_ =	shalt  }
0x61: {  	_ =	shalt  }
0x62: {  	_ =	shalt  }
0x63: {  	_ =	shalt  }
0x64: {  	_ =	shalt  }
0x65: {  	_ =	shalt  }
0x66: {  	_ =	shalt  }
0x67: {  	_ =	shalt  }
0x68: {  	_ =	shalt  }
0x69: {  	_ =	shalt  }
0x6a: {  	_ =	shalt  }
0x6b: {  	_ =	shalt  }
0x6c: {  	_ =	shalt  }
0x6d: {  	_ =	shalt  }
0x6e: {  	_ =	shalt  }
0x6f: {  	_ =	shalt  }
0x70: {  	_ =	shalt  }
0x71: {  	_ =	shalt  }
0x72: {  	_ =	shalt  }
0x73: {  	_ =	shalt  }
0x74: {  	_ =	shalt  }
0x75: {  	_ =	shalt  }
0x76: {  	_ =	shalt  }
0x77: {  	_ =	shalt  }
0x78: {  	_ =	shalt  }
0x79: {  	_ =	shalt  }
0x7a: {  	_ =	shalt  }
0x7b: {  	_ =	shalt  }
0x7c: {  	_ =	shalt  }
0x7d: {  	_ =	shalt  }
0x7e: {  	_ =	shalt  }
0x7f: {  	_ =	shalt  }
0x80: {  	_ =	shalt  }
0x81: {  	_ =	shalt  }
0x82: {  	_ =	shalt  }
0x83: {  	_ =	shalt  }
0x84: {  	_ =	shalt  }
0x85: {  	_ =	shalt  }
0x86: {  	_ =	shalt  }
0x87: {  	_ =	shalt  }
.Lfunc_end0:
.L_simem_size_0:
called_computation.1_lowered:
.L_overlay_start_0:
0x88: {  	s2 =	sld [smem:$0x3FD9]  }
0x89: {  	s3 =	sld [smem:$0x3FFE];
	_ =	sdelay $0x1  }
0x8a: {  	s1 =	srdreg.scid  }
0x8b: {  	s0 =	sand.u32 $0x1, s1  }
0x8c: {  	s16 =	sshll.u32 s0, $0xA;
	s2 =	sadd.s32 s3, s2  }
0x8d: {  	s2 =	sadd.s32 s2, s16  }
0x8e: {  	[smem:$0x3FBD] =	sst s2  }
0x8f: {  	_ = 	snop  }
0x90: {  	(tm) =	ssettm $0x1  }
0x91: {  	s17 =	sld [smem:$0x3FFB];
	_ =	sdelay $0x3  }
0x92: {  	_ =	strace s17  }
0x93: {  	s2 =	sld [smem:$0x3FFC];
	_ =	sdelay $0x3  }
0x94: {  	_ =	strace s2  }
0x95: {  	s2 =	sld [smem:$0x3FFD];
	_ =	sdelay $0x3  }
0x96: {  	_ =	strace s2  }
0x97: {  	_ =	strace $0x8FFFFFFF  }
0x98: {  	s18 =	sld [smem:$0x3FDB];
	_ =	sdelay $0x1  }
0x99: {  	s19 =	simm.s32 $_scs_section_size  }
0x9a: {  	s4 =	simm.s32 $_size__tile_overlayer_lowered;
	s5 =	simm.s32 $_tile_overlayer_lowered  }
0x9b: {  	s22 =	simm.s32 $0x1BFF;
	s21 =	sshll.u32 s5, $0x1;
	s2 =	sadd.s32 s19, s18  }
0x9c: {  	s6 =	simm.s32 $0x0;
	s20 =	sshll.u32 s4, $0x1;
	s4 =	sadd.s32 s21, s2  }
0x9d: {  	[timem:s6], [sflag:s22] =	dma.local [hbm:s4], s20  }
0x9e: {  	_ =	swait.ge [sflag:s22], s20  }
0x9f: {  	s3 =	ssub.s32 $0x0, s20;
	[sflag:s22] =	ssyncset.done $0x0  }
0xa0: {  	[sflag:s22] =	ssyncadd.s32 s3;
	_ =	sdelay $0x1  }
0xa1: {  	s23 =	simm.s32 $0x1B8B  }
0xa2: {  	_ =	swait.ge [sflag:s23], $0x1  }
0xa3: {  	[sflag:s23] =	ssyncset.done $0x0  }
0xa4: {  	s25 =	simm.s32 $0x1B8E;
	s24 =	sld [smem:$0x3FFE];
	[sflag:s23] =	ssyncadd.s32 $0xFFFFFFFF  }
0xa5: {  	s26 =	simm.s32 $execute0_lowered;
	[smem:$0x3FD2] =	sst s25  }
0xa6: {  	s4 =	sshll.u32 s26, $0x1;
	_ =	strace $0x80000049;
	[dreg:$0x1] =	wrdreg $0xFFFFFFFF  }
0xa7: {  	s28 =	simm.s32 $_size_execute0_lowered;
	s2 =	sadd.s32 s2, s4;
	[dreg:$0x0] =	wrdreg $0x0  }
0xa8: {  	s4 =	sshll.u32 s28, $0x1;
	[dreg:$0x2] =	wrdreg s2  }
0xa9: {  	[dreg:$0x3] =	wrdreg s4  }
0xaa: {  	[dreg:$0x4] =	wrdreg $0xC0  }
0xab: {  	_ =	task [dreg:s6], $0x5FFFF  }
0xac: {  	[dreg:$0x1] =	wrdreg $0xFFFFFFFF  }
0xad: {  	[dreg:$0x0] =	wrdreg $0x60  }
0xae: {  	[dreg:$0x2] =	wrdreg s24  }
0xaf: {  	[dreg:$0x3] =	wrdreg $0x9  }
0xb0: {  	_ =	task.clear_ibuf [dreg:s6], $0x4FFFF;
	_ =	strace $0x90000049  }
0xb1: {  	s29 =	simm.s32 $0x9;
	_ =	strace $0x8000004B  }
0xb2: {  	_ =	swait.ge [sflag:s29], $0x1  }
0xb3: {  	[sflag:s29] =	ssyncadd.s32 $0xFFFFFFFF  }
0xb4: {  	_ =	strace $0x9000004B  }
0xb5: {  	_ =	sfence  }
0xb6: {  	s30 =	sld [smem:$0x0];
	_ =	sdelay $0x2  }
0xb7: {  	s31 =	sshll.u32 s1, $0xD;
	s1 =	sshrl.u32 s1, $0x2  }
0xb8: {  	s3 =	sand.u32 $0x4000, s31;
	s1 =	sadd.s32 s1, s30  }
0xb9: {  	s0 =	sor.u32 s3, s0;
	s1 =	sshll.u32 s1, $0x11  }
0xba: {  	s0 =	sor.u32 s1, s0  }
0xbb: {  	s0 =	sadd.s32 $0x8F2B, s0  }
0xbc: {  	[sflag:s0] =	ssyncadd.remote.s32 $0x1  }
0xbd: {  	_ =	sfence.sel $0xFFFF  }
0xbe: {  	[dreg:$0x0] =	wrdreg $0xFFFFFFFF;
	(pc) =	sbr.abs _section_cstart, $3  }
0xbf: {  	[dreg:$0x1] =	wrdreg $0xFFFFFFFF  }
0xc0: {  	_ =	task.clear_ibuf [dreg:s6], $0x2FFFF;
	_ =	strace $0x9FFFFFFF  }
0xc1: {  	(tm) =	ssettm $0x7FFFFFFF  }
tec
execute0_lowered:
.L_overlay_start_1:
0x0: {  	(tag) =	ssettag $0x1  }
0x1: {  	s1 =	srdreg.scid;
	s0 =	stileid.u32  }
0x2: {  	s1 =	sand.u32 $0x1, s1;
	s2 =	sshll.u32 s0, $0x1  }
0x3: {  	s5 =	rddreg [dreg:$0x0];
	s3 =	sor.u32 s1, s2;
	s2 =	simm.s32 $0x0  }
0x4: {  	s26 =	simm.s32 $0x880;
	[smem:$0x7FF] =	sst s2  }
0x5: {  	s0 =	simm.s32 $0x1080;
	_ =	strace $0x8000004A;
	[dreg:$0x4] =	wrdreg s26  }
0x6: {  	s6 =	simm.s32 $0x2080;
	[dreg:$0x5] =	wrdreg s0  }
0x7: {  	s7 =	simm.s32 $0x2880;
	[dreg:$0x7] =	wrdreg s6  }
0x8: {  	s8 =	simm.s32 $0x3080;
	[dreg:$0x8] =	wrdreg s7  }
0x9: {  	s9 =	simm.s32 $0x3880;
	[dreg:$0x9] =	wrdreg s8  }
0xa: {  	s10 =	simm.s32 $0x4080;
	[dreg:$0xa] =	wrdreg s9  }
0xb: {  	s11 =	simm.s32 $0x4880;
	[dreg:$0xb] =	wrdreg s10  }
0xc: {  	s12 =	simm.s32 $0x5080;
	[dreg:$0xc] =	wrdreg s11  }
0xd: {  	s13 =	simm.s32 $0x5880;
	[dreg:$0xd] =	wrdreg s12  }
0xe: {  	s14 =	simm.s32 $0x6080;
	[dreg:$0xe] =	wrdreg s13  }
0xf: {  	s15 =	simm.s32 $0x6880;
	[dreg:$0xf] =	wrdreg s14  }
0x10: {  	s16 =	simm.s32 $0x7080;
	s17 =	simm.s32 $0x7880;
	[dreg:$0x10] =	wrdreg s15  }
0x11: {  	s18 =	simm.s32 $0x8080;
	s19 =	simm.s32 $0x8880;
	[dreg:$0x11] =	wrdreg s16  }
0x12: {  	s20 =	simm.s32 $0x9080;
	s21 =	simm.s32 $0x9880;
	[dreg:$0x12] =	wrdreg s17  }
0x13: {  	s22 =	simm.s32 $0xA080;
	s23 =	simm.s32 $0xA880;
	[dreg:$0x13] =	wrdreg s18  }
0x14: {  	s24 =	simm.s32 $0xB880;
	s25 =	simm.s32 $0xC080;
	[dreg:$0x14] =	wrdreg s19  }
0x15: {  	s28 =	simm.s32 $0x16080;
	s29 =	simm.s32 $0x16880;
	[dreg:$0x15] =	wrdreg s20  }
0x16: {  	s30 =	simm.s32 $0x17080;
	s31 =	simm.s32 $0x17880;
	[dreg:$0x16] =	wrdreg s21  }
0x17: {  	s1 =	ssub.s32 $0x2, s1;
	s4 =	sshll.u32 s3, $0x4;
	[dreg:$0x17] =	wrdreg s22  }
0x18: {  	s3 =	smul.u32 $0x3000, s3;
	s4 =	sadd.s32 s4, s5;
	[dreg:$0x18] =	wrdreg s23  }
0x19: {  	s6 =	sshrl.u32 s1, $0x1;
	s7 =	simm.s32 $0xB080;
	[dreg:$0x1a] =	wrdreg s24  }
0x1a: {  	s8 =	simm.s32 $0x80;
	[dreg:$0x1b] =	wrdreg s25;
	s26 =	simm.s32 $0xC880  }
0x1b: {  	s10 =	simm.s32 $0xD880;
	s11 =	simm.s32 $0xE080;
	s12 =	simm.s32 $0xE880  }
0x1c: {  	s13 =	simm.s32 $0xF080;
	s14 =	simm.s32 $0xF880;
	s15 =	simm.s32 $0x10080  }
0x1d: {  	s16 =	simm.s32 $0x10880;
	s17 =	simm.s32 $0x11080;
	s18 =	simm.s32 $0x11880  }
0x1e: {  	s19 =	simm.s32 $0x12080;
	s20 =	simm.s32 $0x12880;
	s21 =	simm.s32 $0x13080  }
0x1f: {  	s22 =	simm.s32 $0x13880;
	s23 =	simm.s32 $0x14080;
	s24 =	simm.s32 $0x14880  }
0x20: {  	s25 =	simm.s32 $0x15080;
	s3 =	sadd.s32 s3, s5;
	[dreg:$0x19] =	wrdreg s7  }
0x21: {  	s4 =	sadd.s32 $0x1000, s4;
	s1 =	ssub.s32 s1, s6;
	[dreg:$0x1c] =	wrdreg s26  }
0x22: {  	s7 =	simm.s32 $0x2;
	[dreg:$0x2] =	wrdreg s4;
	s3 =	sadd.s32 $0x91200, s3  }
0x23: {  	v2 =	vlaneseq.u32;
	s26 =	simm.s32 $0x15880;
	s4 =	simm.s32 $0x1880;
	[dreg:$0x3] =	wrdreg s3  }
0x24: {  	vm0 =	vmmov $0xffff;
	v1 =	vshrl.u32 v2, $0x3;
	s6 =	smax.u32 s1, $0x1;
	s1 =	simm.s32 $0x1;
	[dreg:$0x6] =	wrdreg s4  }
0x25: {  	v0 =	vand.u32 $0x7, v2;
	v2 =	vor.u32 $0x8, v2;
	v1 =	vmul.u32 $0x8, v1;
	s3 =	sadd.s32 $0x1200, s5;
	s4 =	sadd.s32 $0x1300, s5;
	s5 =	sadd.s32 $0x1400, s5  }
.LBB2_1:
0x26: {  	s0 =	rddreg [dreg:$0x2]  }
0x27: {  	[tilespmem:s2], [sflag:$0x2] =	stream.linear.gather [hbm4b:s0+s2], $0x80, $0x38;
	[tilespmem:$0x18080] =	vst v63  }
0x28: {  	_ =	swait.ge [sflag:s7], $0x80  }
0x29: {  	[sflag:s7] =	ssyncset.done $0x0  }
0x2a: {  	[sflag:s7] =	ssyncadd.s32 $0xFFFFFF80  }
0x2b: {  	v3 =	vld [tilespmem:$0x0];
	_ =	sdelay $0x4  }
0x2c: {  	v4 =	vshrl.u32 v3, $0x3  }
0x2d: {  	v4 =	vmul.u32 $0x30, v4  }
0x2e: {  	v3 =	vand.u32 $0x7, v3  }
0x2f: {  	v3 =	vor.u32 v3, v4  }
0x30: {  	v4 =	vperm.xlane v3, v0;
	_ =	sdelay $0x1  }
0x31: {  	v4 =	vadd.s32 v1, v4;
	_ =	sdelay $0x3  }
0x32: {  	v3 =	vperm.xlane v3, v2  }
0x33: {  	[tilespmem:s8], [sflag:$0x1] =	stream.indirect_vreg.gather [hbm4b:s3+s2], $0x80, v4, vm0, $0xb8;
	[tilespmem:$0x18080] =	vst v63  }
0x34: {  	s0 =	rddreg [dreg:$0x4];
	v3 =	vadd.s32 v1, v3  }
0x35: {  	[tilespmem:s0], [sflag:$0x1] =	stream.indirect_vreg.gather [hbm4b:s4+s2], $0x80, v4, vm0, $0xb8;
	[tilespmem:$0x18080] =	vst v63  }
0x36: {  	s9 =	rddreg [dreg:$0x5]  }
0x37: {  	[tilespmem:s9], [sflag:$0x1] =	stream.indirect_vreg.gather [hbm4b:s5+s2], $0x80, v4, vm0, $0xb8;
	[tilespmem:$0x18080] =	vst v63  }
0x38: {  	s0 =	rddreg [dreg:$0x6]  }
0x39: {  	[tilespmem:s0], [sflag:$0x1] =	stream.indirect_vreg.gather [hbm4b:s3+s2], $0x80, v3, vm0, $0xb8;
	[tilespmem:$0x18080] =	vst v63  }
0x3a: {  	s9 =	rddreg [dreg:$0x7]  }
0x3b: {  	[tilespmem:s9], [sflag:$0x1] =	stream.indirect_vreg.gather [hbm4b:s4+s2], $0x80, v3, vm0, $0xb8;
	[tilespmem:$0x18080] =	vst v63  }
0x3c: {  	s0 =	rddreg [dreg:$0x8]  }
0x3d: {  	[tilespmem:s0], [sflag:$0x1] =	stream.indirect_vreg.gather [hbm4b:s5+s2], $0x80, v3, vm0, $0xb8;
	[tilespmem:$0x18080] =	vst v63  }
0x3e: {  	v3 =	vld [tilespmem:$0x10];
	_ =	sdelay $0x4  }
0x3f: {  	v57 =	vshrl.u32 v3, $0x3  }
0x40: {  	v4 =	vmul.u32 $0x30, v57  }
0x41: {  	v3 =	vand.u32 $0x7, v3  }
0x42: {  	v3 =	vor.u32 v3, v4  }
0x43: {  	v4 =	vperm.xlane v3, v0;
	_ =	sdelay $0x1  }
0x44: {  	v4 =	vadd.s32 v1, v4;
	_ =	sdelay $0x3  }
0x45: {  	s0 =	rddreg [dreg:$0x9];
	v3 =	vperm.xlane v3, v2  }
0x46: {  	[tilespmem:s0], [sflag:$0x1] =	stream.indirect_vreg.gather [hbm4b:s3+s2], $0x80, v4, vm0, $0xb8;
	[tilespmem:$0x18080] =	vst v63  }
0x47: {  	s9 =	rddreg [dreg:$0xa];
	v3 =	vadd.s32 v1, v3  }
0x48: {  	[tilespmem:s9], [sflag:$0x1] =	stream.indirect_vreg.gather [hbm4b:s4+s2], $0x80, v4, vm0, $0xb8;
	[tilespmem:$0x18080] =	vst v63  }
0x49: {  	s0 =	rddreg [dreg:$0xb]  }
0x4a: {  	[tilespmem:s0], [sflag:$0x1] =	stream.indirect_vreg.gather [hbm4b:s5+s2], $0x80, v4, vm0, $0xb8;
	[tilespmem:$0x18080] =	vst v63  }
0x4b: {  	s9 =	rddreg [dreg:$0xc]  }
0x4c: {  	[tilespmem:s9], [sflag:$0x1] =	stream.indirect_vreg.gather [hbm4b:s3+s2], $0x80, v3, vm0, $0xb8;
	[tilespmem:$0x18080] =	vst v63  }
0x4d: {  	s0 =	rddreg [dreg:$0xd]  }
0x4e: {  	[tilespmem:s0], [sflag:$0x1] =	stream.indirect_vreg.gather [hbm4b:s4+s2], $0x80, v3, vm0, $0xb8;
	[tilespmem:$0x18080] =	vst v63  }
0x4f: {  	s9 =	rddreg [dreg:$0xe]  }
0x50: {  	[tilespmem:s9], [sflag:$0x1] =	stream.indirect_vreg.gather [hbm4b:s5+s2], $0x80, v3, vm0, $0xb8;
	[tilespmem:$0x18080] =	vst v63  }
0x51: {  	v3 =	vld [tilespmem:$0x20];
	_ =	sdelay $0x4  }
0x52: {  	v58 =	vshrl.u32 v3, $0x3  }
0x53: {  	v4 =	vmul.u32 $0x30, v58  }
0x54: {  	v3 =	vand.u32 $0x7, v3  }
0x55: {  	v3 =	vor.u32 v3, v4  }
0x56: {  	v4 =	vperm.xlane v3, v0;
	_ =	sdelay $0x1  }
0x57: {  	v4 =	vadd.s32 v1, v4;
	_ =	sdelay $0x3  }
0x58: {  	s0 =	rddreg [dreg:$0xf];
	v3 =	vperm.xlane v3, v2  }
0x59: {  	[tilespmem:s0], [sflag:$0x1] =	stream.indirect_vreg.gather [hbm4b:s3+s2], $0x80, v4, vm0, $0xb8;
	[tilespmem:$0x18080] =	vst v63  }
0x5a: {  	s9 =	rddreg [dreg:$0x10];
	v3 =	vadd.s32 v1, v3  }
0x5b: {  	[tilespmem:s9], [sflag:$0x1] =	stream.indirect_vreg.gather [hbm4b:s4+s2], $0x80, v4, vm0, $0xb8;
	[tilespmem:$0x18080] =	vst v63  }
0x5c: {  	s0 =	rddreg [dreg:$0x11]  }
0x5d: {  	[tilespmem:s0], [sflag:$0x1] =	stream.indirect_vreg.gather [hbm4b:s5+s2], $0x80, v4, vm0, $0xb8;
	[tilespmem:$0x18080] =	vst v63  }
0x5e: {  	s9 =	rddreg [dreg:$0x12]  }
0x5f: {  	[tilespmem:s9], [sflag:$0x1] =	stream.indirect_vreg.gather [hbm4b:s3+s2], $0x80, v3, vm0, $0xb8;
	[tilespmem:$0x18080] =	vst v63  }
0x60: {  	s0 =	rddreg [dreg:$0x13]  }
0x61: {  	[tilespmem:s0], [sflag:$0x1] =	stream.indirect_vreg.gather [hbm4b:s4+s2], $0x80, v3, vm0, $0xb8;
	[tilespmem:$0x18080] =	vst v63  }
0x62: {  	s9 =	rddreg [dreg:$0x14]  }
0x63: {  	[tilespmem:s9], [sflag:$0x1] =	stream.indirect_vreg.gather [hbm4b:s5+s2], $0x80, v3, vm0, $0xb8;
	[tilespmem:$0x18080] =	vst v63  }
0x64: {  	v3 =	vld [tilespmem:$0x30];
	_ =	sdelay $0x4  }
0x65: {  	v59 =	vshrl.u32 v3, $0x3  }
0x66: {  	v4 =	vmul.u32 $0x30, v59  }
0x67: {  	v3 =	vand.u32 $0x7, v3  }
0x68: {  	v3 =	vor.u32 v3, v4  }
0x69: {  	v4 =	vperm.xlane v3, v0;
	_ =	sdelay $0x1  }
0x6a: {  	v4 =	vadd.s32 v1, v4;
	_ =	sdelay $0x3  }
0x6b: {  	s0 =	rddreg [dreg:$0x15];
	v3 =	vperm.xlane v3, v2  }
0x6c: {  	[tilespmem:s0], [sflag:$0x1] =	stream.indirect_vreg.gather [hbm4b:s3+s2], $0x80, v4, vm0, $0xb8;
	[tilespmem:$0x18080] =	vst v63  }
0x6d: {  	s9 =	rddreg [dreg:$0x16];
	v3 =	vadd.s32 v1, v3  }
0x6e: {  	[tilespmem:s9], [sflag:$0x1] =	stream.indirect_vreg.gather [hbm4b:s4+s2], $0x80, v4, vm0, $0xb8;
	[tilespmem:$0x18080] =	vst v63  }
0x6f: {  	s0 =	rddreg [dreg:$0x17]  }
0x70: {  	[tilespmem:s0], [sflag:$0x1] =	stream.indirect_vreg.gather [hbm4b:s5+s2], $0x80, v4, vm0, $0xb8;
	[tilespmem:$0x18080] =	vst v63  }
0x71: {  	s9 =	rddreg [dreg:$0x18]  }
0x72: {  	[tilespmem:s9], [sflag:$0x1] =	stream.indirect_vreg.gather [hbm4b:s3+s2], $0x80, v3, vm0, $0xb8;
	[tilespmem:$0x18080] =	vst v63  }
0x73: {  	s0 =	rddreg [dreg:$0x19]  }
0x74: {  	[tilespmem:s0], [sflag:$0x1] =	stream.indirect_vreg.gather [hbm4b:s4+s2], $0x80, v3, vm0, $0xb8;
	[tilespmem:$0x18080] =	vst v63  }
0x75: {  	s9 =	rddreg [dreg:$0x1a]  }
0x76: {  	[tilespmem:s9], [sflag:$0x1] =	stream.indirect_vreg.gather [hbm4b:s5+s2], $0x80, v3, vm0, $0xb8;
	[tilespmem:$0x18080] =	vst v63  }
0x77: {  	v3 =	vld [tilespmem:$0x40];
	_ =	sdelay $0x4  }
0x78: {  	v60 =	vshrl.u32 v3, $0x3  }
0x79: {  	v4 =	vmul.u32 $0x30, v60  }
0x7a: {  	v3 =	vand.u32 $0x7, v3  }
0x7b: {  	v3 =	vor.u32 v3, v4  }
0x7c: {  	v4 =	vperm.xlane v3, v0;
	_ =	sdelay $0x1  }
0x7d: {  	v4 =	vadd.s32 v1, v4;
	_ =	sdelay $0x3  }
0x7e: {  	s0 =	rddreg [dreg:$0x1b];
	v3 =	vperm.xlane v3, v2  }
0x7f: {  	[tilespmem:s0], [sflag:$0x1] =	stream.indirect_vreg.gather [hbm4b:s3+s2], $0x80, v4, vm0, $0xb8;
	[tilespmem:$0x18080] =	vst v63  }
0x80: {  	s9 =	rddreg [dreg:$0x1c];
	v3 =	vadd.s32 v1, v3  }
0x81: {  	[tilespmem:s9], [sflag:$0x1] =	stream.indirect_vreg.gather [hbm4b:s4+s2], $0x80, v4, vm0, $0xb8;
	[tilespmem:$0x18080] =	vst v63  }
0x82: {  	s9 =	simm.s32 $0xD080  }
0x83: {  	[tilespmem:s9], [sflag:$0x1] =	stream.indirect_vreg.gather [hbm4b:s5+s2], $0x80, v4, vm0, $0xb8;
	[tilespmem:$0x18080] =	vst v63  }
0x84: {  	_ = 	snop  }
0x85: {  	[tilespmem:s10], [sflag:$0x1] =	stream.indirect_vreg.gather [hbm4b:s3+s2], $0x80, v3, vm0, $0xb8;
	[tilespmem:$0x18080] =	vst v63  }
0x86: {  	_ = 	snop  }
0x87: {  	[tilespmem:s11], [sflag:$0x1] =	stream.indirect_vreg.gather [hbm4b:s4+s2], $0x80, v3, vm0, $0xb8;
	[tilespmem:$0x18080] =	vst v63  }
0x88: {  	_ = 	snop  }
0x89: {  	[tilespmem:s12], [sflag:$0x1] =	stream.indirect_vreg.gather [hbm4b:s5+s2], $0x80, v3, vm0, $0xb8;
	[tilespmem:$0x18080] =	vst v63  }
0x8a: {  	v3 =	vld [tilespmem:$0x50];
	_ =	sdelay $0x4  }
0x8b: {  	v61 =	vshrl.u32 v3, $0x3  }
0x8c: {  	v4 =	vmul.u32 $0x30, v61  }
0x8d: {  	v3 =	vand.u32 $0x7, v3  }
0x8e: {  	v3 =	vor.u32 v3, v4  }
0x8f: {  	v4 =	vperm.xlane v3, v0;
	_ =	sdelay $0x1  }
0x90: {  	v4 =	vadd.s32 v1, v4;
	_ =	sdelay $0x3  }
0x91: {  	v3 =	vperm.xlane v3, v2  }
0x92: {  	[tilespmem:s13], [sflag:$0x1] =	stream.indirect_vreg.gather [hbm4b:s3+s2], $0x80, v4, vm0, $0xb8;
	[tilespmem:$0x18080] =	vst v63  }
0x93: {  	v3 =	vadd.s32 v1, v3  }
0x94: {  	[tilespmem:s14], [sflag:$0x1] =	stream.indirect_vreg.gather [hbm4b:s4+s2], $0x80, v4, vm0, $0xb8;
	[tilespmem:$0x18080] =	vst v63  }
0x95: {  	_ = 	snop  }
0x96: {  	[tilespmem:s15], [sflag:$0x1] =	stream.indirect_vreg.gather [hbm4b:s5+s2], $0x80, v4, vm0, $0xb8;
	[tilespmem:$0x18080] =	vst v63  }
0x97: {  	_ = 	snop  }
0x98: {  	[tilespmem:s16], [sflag:$0x1] =	stream.indirect_vreg.gather [hbm4b:s3+s2], $0x80, v3, vm0, $0xb8;
	[tilespmem:$0x18080] =	vst v63  }
0x99: {  	_ = 	snop  }
0x9a: {  	[tilespmem:s17], [sflag:$0x1] =	stream.indirect_vreg.gather [hbm4b:s4+s2], $0x80, v3, vm0, $0xb8;
	[tilespmem:$0x18080] =	vst v63  }
0x9b: {  	_ = 	snop  }
0x9c: {  	[tilespmem:s18], [sflag:$0x1] =	stream.indirect_vreg.gather [hbm4b:s5+s2], $0x80, v3, vm0, $0xb8;
	[tilespmem:$0x18080] =	vst v63  }
0x9d: {  	v3 =	vld [tilespmem:$0x60];
	_ =	sdelay $0x4  }
0x9e: {  	v62 =	vshrl.u32 v3, $0x3  }
0x9f: {  	v4 =	vmul.u32 $0x30, v62  }
0xa0: {  	v3 =	vand.u32 $0x7, v3  }
0xa1: {  	v3 =	vor.u32 v3, v4  }
0xa2: {  	v4 =	vperm.xlane v3, v0;
	_ =	sdelay $0x1  }
0xa3: {  	v4 =	vadd.s32 v1, v4;
	_ =	sdelay $0x3  }
0xa4: {  	v3 =	vperm.xlane v3, v2  }
0xa5: {  	[tilespmem:s19], [sflag:$0x1] =	stream.indirect_vreg.gather [hbm4b:s3+s2], $0x80, v4, vm0, $0xb8;
	[tilespmem:$0x18080] =	vst v63  }
0xa6: {  	v3 =	vadd.s32 v1, v3  }
0xa7: {  	[tilespmem:s20], [sflag:$0x1] =	stream.indirect_vreg.gather [hbm4b:s4+s2], $0x80, v4, vm0, $0xb8;
	[tilespmem:$0x18080] =	vst v63  }
0xa8: {  	_ = 	snop  }
0xa9: {  	[tilespmem:s21], [sflag:$0x1] =	stream.indirect_vreg.gather [hbm4b:s5+s2], $0x80, v4, vm0, $0xb8;
	[tilespmem:$0x18080] =	vst v63  }
0xaa: {  	_ = 	snop  }
0xab: {  	[tilespmem:s22], [sflag:$0x1] =	stream.indirect_vreg.gather [hbm4b:s3+s2], $0x80, v3, vm0, $0xb8;
	[tilespmem:$0x18080] =	vst v63  }
0xac: {  	_ = 	snop  }
0xad: {  	[tilespmem:s23], [sflag:$0x1] =	stream.indirect_vreg.gather [hbm4b:s4+s2], $0x80, v3, vm0, $0xb8;
	[tilespmem:$0x18080] =	vst v63  }
0xae: {  	_ = 	snop  }
0xaf: {  	[tilespmem:s24], [sflag:$0x1] =	stream.indirect_vreg.gather [hbm4b:s5+s2], $0x80, v3, vm0, $0xb8;
	[tilespmem:$0x18080] =	vst v63  }
0xb0: {  	v3 =	vld [tilespmem:$0x70];
	_ =	sdelay $0x4  }
0xb1: {  	v63 =	vshrl.u32 v3, $0x3  }
0xb2: {  	v4 =	vmul.u32 $0x30, v63  }
0xb3: {  	v3 =	vand.u32 $0x7, v3  }
0xb4: {  	v3 =	vor.u32 v3, v4  }
0xb5: {  	v4 =	vperm.xlane v3, v0;
	_ =	sdelay $0x1  }
0xb6: {  	v4 =	vadd.s32 v1, v4;
	_ =	sdelay $0x3  }
0xb7: {  	v3 =	vperm.xlane v3, v2  }
0xb8: {  	[tilespmem:s25], [sflag:$0x1] =	stream.indirect_vreg.gather [hbm4b:s3+s2], $0x80, v4, vm0, $0xb8;
	[tilespmem:$0x18080] =	vst v63  }
0xb9: {  	v3 =	vadd.s32 v1, v3  }
0xba: {  	[tilespmem:s26], [sflag:$0x1] =	stream.indirect_vreg.gather [hbm4b:s4+s2], $0x80, v4, vm0, $0xb8;
	[tilespmem:$0x18080] =	vst v63  }
0xbb: {  	_ = 	snop  }
0xbc: {  	[tilespmem:s28], [sflag:$0x1] =	stream.indirect_vreg.gather [hbm4b:s5+s2], $0x80, v4, vm0, $0xb8;
	[tilespmem:$0x18080] =	vst v63  }
0xbd: {  	_ = 	snop  }
0xbe: {  	[tilespmem:s29], [sflag:$0x1] =	stream.indirect_vreg.gather [hbm4b:s3+s2], $0x80, v3, vm0, $0xb8;
	[tilespmem:$0x18080] =	vst v63  }
0xbf: {  	_ = 	snop  }
0xc0: {  	[tilespmem:s30], [sflag:$0x1] =	stream.indirect_vreg.gather [hbm4b:s4+s2], $0x80, v3, vm0, $0xb8;
	[tilespmem:$0x18080] =	vst v63  }
0xc1: {  	_ = 	snop  }
0xc2: {  	[tilespmem:s31], [sflag:$0x1] =	stream.indirect_vreg.gather [hbm4b:s5+s2], $0x80, v3, vm0, $0xb8;
	[tilespmem:$0x18080] =	vst v63  }
0xc3: {  	_ =	swait.ge [sflag:s1], $0x18000  }
0xc4: {  	p0 =	sne.s32 s6, $0x1;
	[sflag:s1] =	ssyncset.done $0x0  }
.Ltmp0:
0xc5: {  	s9 =	rddreg [dreg:$0x3];
	[sflag:s1] =	ssyncadd.s32 $0xFFFE8000;
	(pc) =	sbr.rel @p0 .LBB2_1-.Ltmp0, $4  }
0xc6: {  	[hbm4b:s9+s2] =	stream.linear.scatter [tilespmem:s8], [sflag:$0x2], $0x18000, $0x38;
	[tilespmem:$0x18080] =	vst v63  }
0xc7: {  	_ =	swait.ge [sflag:s7], $0x18000  }
0xc8: {  	[sflag:s7] =	ssyncset.done $0x0  }
0xc9: {  	s6 =	sadd.s32 $0xFFFFFFFF, s6;
	[sflag:s7] =	ssyncadd.s32 $0xFFFE8000  }
0xca: {  	_ =	sfence.sel $0x180000  }
0xcb: {  	[bflag:$0x0] =	sbarrier.arrive $0xFFFF  }
0xcc: {  	_ =	strace $0x9000004A  }
0xcd: {  	s0 =	stileid.u32;
	[bflag:$0x2] =	sbarrier.arrive $0xFFFF  }
0xce: {  	p0 =	sne.s32 s0, $0x0;
	s0 =	rddreg [dreg:$0x1]  }
0xcf: {  	s0 =	sadd.s32 @!p0 $0x100000, s0  }
0xd0: {  	[sflag:s0] =	ssyncadd.tile.s32 @!p0 $0x1;
	_ =	shalt  }
.Lfunc_end2:
_tile_overlayer_lowered:
.L_overlay_start_2:
0xd1: {  	(tag) =	ssettag $0x2  }
0xd2: {  	s0 =	rddreg [dreg:$0x0];
	s2 =	stileid.u32  }
0xd3: {  	s1 =	rddreg [dreg:$0x1];
	p0 =	sne.s32 s2, $0x0  }
0xd4: {  	s3 =	rddreg [dreg:$0x2];
	[bflag:$0x3] =	sbarrier.arrive $0xFFFF;
	s2 =	simm.s32 @!p0 $0x1C02  }
0xd5: {  	[timem:s3], [sflag:s2] =	dma.local @!p0 [hbm:s0], s1  }
0xd6: {  	s0 =	simm.s32 @!p0 $0x2  }
0xd7: {  	_ =	swait.ge @!p0 [sflag:s0], s1  }
0xd8: {  	s1 =	ssub.s32 @!p0 $0x0, s1;
	[sflag:s0] =	ssyncset.done @!p0 $0x0  }
0xd9: {  	[sflag:s0] =	ssyncadd.s32 @!p0 s1  }
0xda: {  	[bflag:$0x3] =	sbarrier.arrive $0xFFFF  }
0xdb: {  	_ =	shalt  }

// kernel: kernel.8.cloned.1.call-start
scs
__scs_entry_jumppad:
0x0: {  	(pc) =	sbr.rel $0x88, $3  }
0x1: {  	(tag) =	ssettag $0x0;
	lr =	simm.s32 $0x1  }
0x2: {  	[smem:$0x3F96] =	sst lr;
	_ =	strace $0xD0000000  }
0x3: {  	_ = 	snop  }
0x4: {  	_ = 	snop  }
0x5: {  	_ = 	snop  }
0x6: {  	_ = 	snop  }
0x7: {  	_ = 	snop  }
__scs_overlays_trampoline_lowered:
0x8: {  	[smem:$0x3FA5] =	sst s0  }
0x9: {  	[smem:$0x3FA6] =	sst s1  }
0xa: {  	[smem:$0x3FA7] =	sst s2  }
0xb: {  	[smem:$0x3FA8] =	sst s3  }
0xc: {  	[smem:$0x3FA9] =	sst s4  }
0xd: {  	[smem:$0x3FAA] =	sst s5  }
0xe: {  	[smem:$0x3FAB] =	sst s6  }
0xf: {  	[smem:$0x3FAC] =	sst s7  }
0x10: {  	[smem:$0x3FAD] =	sst s8  }
0x11: {  	[smem:$0x3FAE] =	sst s9;
	s0 =	simm.s32 @!p0 $0x0  }
0x12: {  	s1 =	sld [smem:$0x3F94];
	s0 =	simm.s32 @p0 $0x1  }
0x13: {  	[smem:$0x3FAF] =	sst s0;
	s0 =	simm.s32 @!p1 $0x0  }
0x14: {  	s2 =	sld [smem:$0x3F93];
	s0 =	simm.s32 @p1 $0x1  }
0x15: {  	[smem:$0x3FB0] =	sst s0;
	s0 =	simm.s32 @!p2 $0x0  }
0x16: {  	s3 =	sld [smem:$0x3FDB];
	s0 =	simm.s32 @p2 $0x1  }
0x17: {  	s4 =	simm.s32 $0x1BF5;
	[smem:$0x3FB2] =	sst s0  }
0x18: {  	s0 =	sld [smem:$0x3F95];
	_ =	swait.ge [sflag:s4], $0x0  }
0x19: {  	s7 =	sld [smem:$0x3F96]  }
0x1a: {  	s8 =	sadd.s32 $0xFFFFE003, lr  }
0x1b: {  	s9 =	sadd.s32 $0xFFFFFEF7, lr;
	s5 =	simm.s32 $0xFFFFFFFF;
	p2 =	slt.u32 s8, $0xFFFFF086  }
0x1c: {  	p1 =	slt.u32 s9, $0xF7A;
	s5 =	simm.s32 @!p2 $0x0  }
0x1d: {  	s5 =	simm.s32 @p1 $0x1;
	p0 =	seq.s32 s7, s2  }
0x1e: {  	s7 =	smul.u32 @!p0 $0xF7A, s2;
	p2 =	seq.s32 @!p0 s5, $0x0  }
0x1f: {  	s9 =	smul.u32 $0xF7A, s1;
	s8 =	simm.s32 @!p0 $0x1BF5;
	p2 =	por !p2, p0  }
0x20: {  	[sflag:s8] =	ssyncset.s32 @!p0 $0xFFFFF086;
	s6 =	sadd.s32 @!p0 s3, s7;
	s7 =	simm.s32 @!p0 $0x108  }
0x21: {  	s3 =	sadd.s32 s3, s9;
	s6 =	sadd.s32 @!p0 $0x88, s6;
	s7 =	simm.s32 @p2 $0x1082  }
0x22: {  	[simem:s7], [sflag:s8] =	dma.local @!p0 [hbm:s6], $0xF7A  }
0x23: {  	s9 =	sor.u32 $0xD0000000, s2;
	s6 =	simm.s32 $0x108;
	_ =	swait.ge @!p0 [sflag:s8], $0x0  }
0x24: {  	s3 =	sadd.s32 $0x88, s3;
	s6 =	simm.s32 @!p1 $0x1082;
	[sflag:s4] =	ssyncset.s32 $0xFFFFF086  }
0x25: {  	[simem:s6], [sflag:s4] =	dma.local [hbm:s3], $0xF7A  }
0x26: {  	[smem:$0x3F96] =	sst s1;
	(tag) =	ssettag s2;
	_ =	strace s9  }
0x27: {  	s1 =	sld [smem:$0x3FA6]  }
0x28: {  	s2 =	sld [smem:$0x3FA7]  }
0x29: {  	s4 =	sld [smem:$0x3FA9]  }
0x2a: {  	p0 =	seq.s32 s5, $0x0;
	s5 =	sld [smem:$0x3FAA]  }
0x2b: {  	s6 =	sld [smem:$0x3FAB]  }
0x2c: {  	s7 =	sld [smem:$0x3FAC]  }
0x2d: {  	s3 =	simm.s32 $0x108;
	s8 =	sld [smem:$0x3FAD]  }
0x2e: {  	s3 =	simm.s32 @!p0 $0x1082;
	s9 =	sld [smem:$0x3FAE]  }
0x2f: {  	lr =	sadd.s32 s0, s3;
	s0 =	sld [smem:$0x3FA5]  }
0x30: {  	s3 =	sld [smem:$0x3FA8]  }
0x31: {  	[smem:$0x3FB1] =	sst s10  }
0x32: {  	s10 =	sld [smem:$0x3FAF];
	_ =	sdelay $0x3  }
0x33: {  	p0 =	seq.s32 s10, $0x1;
	s10 =	sld [smem:$0x3FB1];
	_ =	sdelay $0x3  }
0x34: {  	[smem:$0x3FB1] =	sst s10  }
0x35: {  	s10 =	sld [smem:$0x3FB0];
	_ =	sdelay $0x3  }
0x36: {  	p1 =	seq.s32 s10, $0x1;
	s10 =	sld [smem:$0x3FB1];
	_ =	sdelay $0x3  }
0x37: {  	[smem:$0x3FB1] =	sst s10  }
0x38: {  	s10 =	sld [smem:$0x3FB2]  }
0x39: {  	_ = 	snop;
	(pc) =	sbr.ind lr, $3  }
0x3a: {  	_ = 	snop  }
0x3b: {  	_ = 	snop  }
0x3c: {  	p2 =	seq.s32 s10, $0x1;
	s10 =	sld [smem:$0x3FB1]  }
0x3d: {  	_ =	shalt  }
0x3e: {  	_ =	shalt  }
0x3f: {  	_ =	shalt  }
0x40: {  	_ =	shalt  }
0x41: {  	_ =	shalt  }
0x42: {  	_ =	shalt  }
0x43: {  	_ =	shalt  }
0x44: {  	_ =	shalt  }
0x45: {  	_ =	shalt  }
0x46: {  	_ =	shalt  }
0x47: {  	_ =	shalt  }
0x48: {  	_ =	shalt  }
0x49: {  	_ =	shalt  }
0x4a: {  	_ =	shalt  }
0x4b: {  	_ =	shalt  }
0x4c: {  	_ =	shalt  }
0x4d: {  	_ =	shalt  }
0x4e: {  	_ =	shalt  }
0x4f: {  	_ =	shalt  }
0x50: {  	_ =	shalt  }
0x51: {  	_ =	shalt  }
0x52: {  	_ =	shalt  }
0x53: {  	_ =	shalt  }
0x54: {  	_ =	shalt  }
0x55: {  	_ =	shalt  }
0x56: {  	_ =	shalt  }
0x57: {  	_ =	shalt  }
0x58: {  	_ =	shalt  }
0x59: {  	_ =	shalt  }
0x5a: {  	_ =	shalt  }
0x5b: {  	_ =	shalt  }
0x5c: {  	_ =	shalt  }
0x5d: {  	_ =	shalt  }
0x5e: {  	_ =	shalt  }
0x5f: {  	_ =	shalt  }
0x60: {  	_ =	shalt  }
0x61: {  	_ =	shalt  }
0x62: {  	_ =	shalt  }
0x63: {  	_ =	shalt  }
0x64: {  	_ =	shalt  }
0x65: {  	_ =	shalt  }
0x66: {  	_ =	shalt  }
0x67: {  	_ =	shalt  }
0x68: {  	_ =	shalt  }
0x69: {  	_ =	shalt  }
0x6a: {  	_ =	shalt  }
0x6b: {  	_ =	shalt  }
0x6c: {  	_ =	shalt  }
0x6d: {  	_ =	shalt  }
0x6e: {  	_ =	shalt  }
0x6f: {  	_ =	shalt  }
0x70: {  	_ =	shalt  }
0x71: {  	_ =	shalt  }
0x72: {  	_ =	shalt  }
0x73: {  	_ =	shalt  }
0x74: {  	_ =	shalt  }
0x75: {  	_ =	shalt  }
0x76: {  	_ =	shalt  }
0x77: {  	_ =	shalt  }
0x78: {  	_ =	shalt  }
0x79: {  	_ =	shalt  }
0x7a: {  	_ =	shalt  }
0x7b: {  	_ =	shalt  }
0x7c: {  	_ =	shalt  }
0x7d: {  	_ =	shalt  }
0x7e: {  	_ =	shalt  }
0x7f: {  	_ =	shalt  }
0x80: {  	_ =	shalt  }
0x81: {  	_ =	shalt  }
0x82: {  	_ =	shalt  }
0x83: {  	_ =	shalt  }
0x84: {  	_ =	shalt  }
0x85: {  	_ =	shalt  }
0x86: {  	_ =	shalt  }
0x87: {  	_ =	shalt  }
.Lfunc_end0:
.L_simem_size_0:
called_computation_lowered:
.L_overlay_start_0:
0x88: {  	s2 =	sld [smem:$0x3FD9]  }
0x89: {  	s3 =	sld [smem:$0x3FFE];
	_ =	sdelay $0x1  }
0x8a: {  	s1 =	srdreg.scid  }
0x8b: {  	s0 =	sand.u32 $0x1, s1  }
0x8c: {  	s17 =	sshll.u32 s0, $0xA;
	s2 =	sadd.s32 s3, s2  }
0x8d: {  	s2 =	sadd.s32 s2, s17  }
0x8e: {  	[smem:$0x3FBD] =	sst s2  }
0x8f: {  	_ = 	snop  }
0x90: {  	s2 =	sld [smem:$0x3FD0];
	(tm) =	ssettm $0x1  }
0x91: {  	s18 =	sld [smem:$0x3FFB];
	_ =	sdelay $0x3  }
0x92: {  	_ =	strace s18  }
0x93: {  	s3 =	sld [smem:$0x3FFC];
	_ =	sdelay $0x3  }
0x94: {  	_ =	strace s3  }
0x95: {  	s3 =	sld [smem:$0x3FFD];
	_ =	sdelay $0x3  }
0x96: {  	_ =	strace s3  }
0x97: {  	_ =	strace $0x8FFFFFFF  }
0x98: {  	s19 =	sld [smem:$0x3FDB];
	_ =	sdelay $0x1  }
0x99: {  	s4 =	simm.s32 $_scs_section_size  }
0x9a: {  	s5 =	simm.s32 $_size__tile_overlayer_lowered;
	s6 =	simm.s32 $_tile_overlayer_lowered  }
0x9b: {  	s22 =	simm.s32 $0x1BFF;
	s21 =	sshll.u32 s6, $0x1;
	s3 =	sadd.s32 s4, s19  }
0x9c: {  	s7 =	simm.s32 $0x0;
	s20 =	sshll.u32 s5, $0x1;
	s5 =	sadd.s32 s21, s3  }
0x9d: {  	[timem:s7], [sflag:s22] =	dma.local [hbm:s5], s20  }
0x9e: {  	_ =	swait.ge [sflag:s22], s20  }
0x9f: {  	s4 =	ssub.s32 $0x0, s20;
	[sflag:s22] =	ssyncset.done $0x0  }
0xa0: {  	[sflag:s22] =	ssyncadd.s32 s4;
	_ =	sdelay $0x1  }
0xa1: {  	s23 =	simm.s32 $0x1B8B  }
0xa2: {  	_ =	swait.ge [sflag:s23], $0x1  }
0xa3: {  	[sflag:s23] =	ssyncset.done $0x0  }
0xa4: {  	s25 =	simm.s32 $0x1B8E;
	s24 =	sld [smem:$0x3FFE];
	[sflag:s23] =	ssyncadd.s32 $0xFFFFFFFF  }
0xa5: {  	s26 =	simm.s32 $execute0_lowered;
	[smem:$0x3FD2] =	sst s25  }
0xa6: {  	s5 =	sshll.u32 s26, $0x1;
	_ =	strace $0x80000046;
	[dreg:$0x1] =	wrdreg $0xFFFFFFFF  }
0xa7: {  	s28 =	simm.s32 $_size_execute0_lowered;
	s3 =	sadd.s32 s3, s5;
	[dreg:$0x0] =	wrdreg $0x0  }
0xa8: {  	s5 =	sshll.u32 s28, $0x1;
	[dreg:$0x2] =	wrdreg s3  }
0xa9: {  	[dreg:$0x3] =	wrdreg s5  }
0xaa: {  	[dreg:$0x4] =	wrdreg $0xC0  }
0xab: {  	_ =	task [dreg:s7], $0x5FFFF  }
0xac: {  	[dreg:$0x1] =	wrdreg $0xFFFFFFFF  }
0xad: {  	[dreg:$0x0] =	wrdreg $0x60  }
0xae: {  	[dreg:$0x2] =	wrdreg s2  }
0xaf: {  	[dreg:$0x3] =	wrdreg s24  }
0xb0: {  	[dreg:$0x4] =	wrdreg $0x9  }
0xb1: {  	_ =	task.clear_ibuf [dreg:s7], $0x5FFFF;
	_ =	strace $0x90000046  }
0xb2: {  	s29 =	simm.s32 $0x9;
	_ =	strace $0x80000048  }
0xb3: {  	_ =	swait.ge [sflag:s29], $0x1  }
0xb4: {  	[sflag:s29] =	ssyncadd.s32 $0xFFFFFFFF  }
0xb5: {  	_ =	strace $0x90000048  }
0xb6: {  	_ =	sfence  }
0xb7: {  	s30 =	sld [smem:$0x0];
	_ =	sdelay $0x2  }
0xb8: {  	s31 =	sshll.u32 s1, $0xD;
	s1 =	sshrl.u32 s1, $0x2  }
0xb9: {  	s3 =	sand.u32 $0x4000, s31;
	s1 =	sadd.s32 s1, s30  }
0xba: {  	s0 =	sor.u32 s3, s0;
	s1 =	sshll.u32 s1, $0x11  }
0xbb: {  	s0 =	sor.u32 s1, s0  }
0xbc: {  	s0 =	sadd.s32 $0x8F2B, s0  }
0xbd: {  	[sflag:s0] =	ssyncadd.remote.s32 $0x1  }
0xbe: {  	_ =	sfence.sel $0xFFFF  }
0xbf: {  	[dreg:$0x0] =	wrdreg $0xFFFFFFFF;
	(pc) =	sbr.abs _section_cstart, $3  }
0xc0: {  	[dreg:$0x1] =	wrdreg $0xFFFFFFFF  }
0xc1: {  	_ =	task.clear_ibuf [dreg:s7], $0x2FFFF;
	_ =	strace $0x9FFFFFFF  }
0xc2: {  	(tm) =	ssettm $0x7FFFFFFF  }
0xc3: {  	_ =	shalt  }
tec
execute0_lowered:
.L_overlay_start_1:
0x0: {  	(tag) =	ssettag $0x1  }
0x1: {  	s1 =	srdreg.scid  }
0x2: {  	s0 =	stileid.u32;
	s1 =	sand.u32 $0x1, s1  }
0x3: {  	s3 =	rddreg [dreg:$0x0];
	s2 =	sshll.u32 s0, $0x5;
	s4 =	sshll.u32 s1, $0x4  }
0x4: {  	s5 =	rddreg [dreg:$0x1];
	s4 =	sor.u32 s4, s2;
	s2 =	simm.s32 $0x0  }
0x5: {  	s25 =	simm.s32 $0x880;
	[smem:$0x7FF] =	sst s2  }
0x6: {  	s26 =	simm.s32 $0x1080;
	_ =	strace $0x80000047;
	[dreg:$0x5] =	wrdreg s25  }
0x7: {  	s0 =	simm.s32 $0x1880;
	[dreg:$0x6] =	wrdreg s26  }
0x8: {  	s7 =	simm.s32 $0x3080;
	[dreg:$0x7] =	wrdreg s0  }
0x9: {  	s8 =	simm.s32 $0x3880;
	[dreg:$0xa] =	wrdreg s7  }
0xa: {  	s9 =	simm.s32 $0x4080;
	[dreg:$0xb] =	wrdreg s8  }
0xb: {  	s10 =	simm.s32 $0x4880;
	[dreg:$0xc] =	wrdreg s9  }
0xc: {  	s11 =	simm.s32 $0x5080;
	s12 =	simm.s32 $0x5880;
	[dreg:$0xd] =	wrdreg s10  }
0xd: {  	s13 =	simm.s32 $0x6080;
	s14 =	simm.s32 $0x6880;
	[dreg:$0xe] =	wrdreg s11  }
0xe: {  	s15 =	simm.s32 $0x7080;
	s16 =	simm.s32 $0x7880;
	[dreg:$0xf] =	wrdreg s12  }
0xf: {  	s17 =	simm.s32 $0x8080;
	s18 =	simm.s32 $0x8880;
	[dreg:$0x10] =	wrdreg s13  }
0x10: {  	s19 =	simm.s32 $0x9080;
	s21 =	simm.s32 $0x9880;
	[dreg:$0x11] =	wrdreg s14  }
0x11: {  	s22 =	simm.s32 $0xA080;
	s23 =	simm.s32 $0xA880;
	[dreg:$0x12] =	wrdreg s15  }
0x12: {  	s24 =	simm.s32 $0xB880;
	s28 =	simm.s32 $0x16080;
	[dreg:$0x13] =	wrdreg s16  }
0x13: {  	s29 =	simm.s32 $0x16880;
	s30 =	simm.s32 $0x17080;
	[dreg:$0x14] =	wrdreg s17  }
0x14: {  	s31 =	simm.s32 $0x17880;
	s1 =	ssub.s32 $0x2, s1;
	[dreg:$0x15] =	wrdreg s18  }
0x15: {  	s20 =	sshrl.u32 s1, $0x1;
	s6 =	sand.u32 $0xF0, s4;
	[dreg:$0x16] =	wrdreg s19  }
0x16: {  	s4 =	sadd.s32 s4, s5;
	s1 =	ssub.s32 s1, s20;
	[dreg:$0x17] =	wrdreg s21  }
0x17: {  	s20 =	simm.s32 $0x12880;
	s6 =	smul.u32 $0x300, s6;
	[dreg:$0x18] =	wrdreg s22  }
0x18: {  	s4 =	sadd.s32 $0x1000, s4;
	[dreg:$0x19] =	wrdreg s23;
	s7 =	simm.s32 $0xB080  }
0x19: {  	[dreg:$0x1b] =	wrdreg s24;
	s25 =	simm.s32 $0xC080;
	s8 =	simm.s32 $0x80  }
0x1a: {  	s26 =	simm.s32 $0xC880;
	s10 =	simm.s32 $0xD880;
	s11 =	simm.s32 $0xE080  }
0x1b: {  	s12 =	simm.s32 $0xE880;
	s13 =	simm.s32 $0xF080;
	s14 =	simm.s32 $0xF880  }
0x1c: {  	s15 =	simm.s32 $0x10080;
	s16 =	simm.s32 $0x10880;
	s17 =	simm.s32 $0x11080  }
0x1d: {  	s18 =	simm.s32 $0x11880;
	s19 =	simm.s32 $0x12080;
	[dreg:$0x3] =	wrdreg s4  }
0x1e: {  	s21 =	simm.s32 $0x13080;
	s22 =	simm.s32 $0x13880;
	[dreg:$0x1a] =	wrdreg s7  }
0x1f: {  	s23 =	simm.s32 $0x14080;
	s24 =	simm.s32 $0x14880;
	[dreg:$0x1c] =	wrdreg s25  }
0x20: {  	s4 =	simm.s32 $0x2080;
	s7 =	simm.s32 $0x2;
	[dreg:$0x1d] =	wrdreg s26  }
0x21: {  	s25 =	simm.s32 $0x15080;
	s3 =	sadd.s32 s3, s6;
	[dreg:$0x8] =	wrdreg s4  }
0x22: {  	v2 =	vlaneseq.u32;
	s26 =	simm.s32 $0x15880;
	s6 =	simm.s32 $0x2880;
	[dreg:$0x4] =	wrdreg s3  }
0x23: {  	vm0 =	vmmov $0xffff;
	v1 =	vshrl.u32 v2, $0x3;
	s4 =	sadd.s32 $0x1300, s5;
	[dreg:$0x9] =	wrdreg s6;
	s3 =	sadd.s32 $0x1200, s5  }
0x24: {  	v0 =	vand.u32 $0x7, v2;
	v2 =	vor.u32 $0x8, v2;
	v1 =	vmul.u32 $0x8, v1;
	s5 =	sadd.s32 $0x1400, s5;
	s6 =	smax.u32 s1, $0x1;
	s1 =	simm.s32 $0x1  }
.LBB2_1:
0x25: {  	s0 =	rddreg [dreg:$0x3]  }
0x26: {  	[tilespmem:s2], [sflag:$0x2] =	stream.linear.gather [hbm4b:s0+s2], $0x80, $0x38;
	[tilespmem:$0x18080] =	vst v63  }
0x27: {  	_ =	swait.ge [sflag:s7], $0x80  }
0x28: {  	[sflag:s7] =	ssyncset.done $0x0  }
0x29: {  	s9 =	rddreg [dreg:$0x4];
	[sflag:s7] =	ssyncadd.s32 $0xFFFFFF80  }
0x2a: {  	[tilespmem:s8], [sflag:$0x2] =	stream.linear.gather [hbm4b:s9+s2], $0x18000, $0x38;
	[tilespmem:$0x18080] =	vst v63  }
0x2b: {  	_ =	swait.ge [sflag:s7], $0x18000  }
0x2c: {  	[sflag:s7] =	ssyncset.done $0x0  }
0x2d: {  	[sflag:s7] =	ssyncadd.s32 $0xFFFE8000  }
0x2e: {  	v3 =	vld [tilespmem:$0x0];
	_ =	sdelay $0x4  }
0x2f: {  	v4 =	vshrl.u32 v3, $0x3  }
0x30: {  	v4 =	vmul.u32 $0x30, v4  }
0x31: {  	v3 =	vand.u32 $0x7, v3  }
0x32: {  	v3 =	vor.u32 v3, v4  }
0x33: {  	v4 =	vperm.xlane v3, v0;
	_ =	sdelay $0x1  }
0x34: {  	v4 =	vadd.s32 v1, v4;
	_ =	sdelay $0x3  }
0x35: {  	v3 =	vperm.xlane v3, v2  }
0x36: {  	[hbm4b:s3+s2] =	stream.indirect_vreg.scatter [tilespmem:s8], [sflag:$0x1], $0x80, v4, vm0, $0xb8;
	[tilespmem:$0x18080] =	vst v63  }
0x37: {  	s0 =	rddreg [dreg:$0x5];
	v3 =	vadd.s32 v1, v3  }
0x38: {  	[hbm4b:s4+s2] =	stream.indirect_vreg.scatter [tilespmem:s0], [sflag:$0x1], $0x80, v4, vm0, $0xb8;
	[tilespmem:$0x18080] =	vst v63  }
0x39: {  	s9 =	rddreg [dreg:$0x6]  }
0x3a: {  	[hbm4b:s5+s2] =	stream.indirect_vreg.scatter [tilespmem:s9], [sflag:$0x1], $0x80, v4, vm0, $0xb8;
	[tilespmem:$0x18080] =	vst v63  }
0x3b: {  	s0 =	rddreg [dreg:$0x7]  }
0x3c: {  	[hbm4b:s3+s2] =	stream.indirect_vreg.scatter [tilespmem:s0], [sflag:$0x1], $0x80, v3, vm0, $0xb8;
	[tilespmem:$0x18080] =	vst v63  }
0x3d: {  	s9 =	rddreg [dreg:$0x8]  }
0x3e: {  	[hbm4b:s4+s2] =	stream.indirect_vreg.scatter [tilespmem:s9], [sflag:$0x1], $0x80, v3, vm0, $0xb8;
	[tilespmem:$0x18080] =	vst v63  }
0x3f: {  	s0 =	rddreg [dreg:$0x9]  }
0x40: {  	[hbm4b:s5+s2] =	stream.indirect_vreg.scatter [tilespmem:s0], [sflag:$0x1], $0x80, v3, vm0, $0xb8;
	[tilespmem:$0x18080] =	vst v63  }
0x41: {  	v3 =	vld [tilespmem:$0x10];
	_ =	sdelay $0x4  }
0x42: {  	v57 =	vshrl.u32 v3, $0x3  }
0x43: {  	v4 =	vmul.u32 $0x30, v57  }
0x44: {  	v3 =	vand.u32 $0x7, v3  }
0x45: {  	v3 =	vor.u32 v3, v4  }
0x46: {  	v4 =	vperm.xlane v3, v0;
	_ =	sdelay $0x1  }
0x47: {  	v4 =	vadd.s32 v1, v4;
	_ =	sdelay $0x3  }
0x48: {  	s0 =	rddreg [dreg:$0xa];
	v3 =	vperm.xlane v3, v2  }
0x49: {  	[hbm4b:s3+s2] =	stream.indirect_vreg.scatter [tilespmem:s0], [sflag:$0x1], $0x80, v4, vm0, $0xb8;
	[tilespmem:$0x18080] =	vst v63  }
0x4a: {  	s9 =	rddreg [dreg:$0xb];
	v3 =	vadd.s32 v1, v3  }
0x4b: {  	[hbm4b:s4+s2] =	stream.indirect_vreg.scatter [tilespmem:s9], [sflag:$0x1], $0x80, v4, vm0, $0xb8;
	[tilespmem:$0x18080] =	vst v63  }
0x4c: {  	s0 =	rddreg [dreg:$0xc]  }
0x4d: {  	[hbm4b:s5+s2] =	stream.indirect_vreg.scatter [tilespmem:s0], [sflag:$0x1], $0x80, v4, vm0, $0xb8;
	[tilespmem:$0x18080] =	vst v63  }
0x4e: {  	s9 =	rddreg [dreg:$0xd]  }
0x4f: {  	[hbm4b:s3+s2] =	stream.indirect_vreg.scatter [tilespmem:s9], [sflag:$0x1], $0x80, v3, vm0, $0xb8;
	[tilespmem:$0x18080] =	vst v63  }
0x50: {  	s0 =	rddreg [dreg:$0xe]  }
0x51: {  	[hbm4b:s4+s2] =	stream.indirect_vreg.scatter [tilespmem:s0], [sflag:$0x1], $0x80, v3, vm0, $0xb8;
	[tilespmem:$0x18080] =	vst v63  }
0x52: {  	s9 =	rddreg [dreg:$0xf]  }
0x53: {  	[hbm4b:s5+s2] =	stream.indirect_vreg.scatter [tilespmem:s9], [sflag:$0x1], $0x80, v3, vm0, $0xb8;
	[tilespmem:$0x18080] =	vst v63  }
0x54: {  	v3 =	vld [tilespmem:$0x20];
	_ =	sdelay $0x4  }
0x55: {  	v58 =	vshrl.u32 v3, $0x3  }
0x56: {  	v4 =	vmul.u32 $0x30, v58  }
0x57: {  	v3 =	vand.u32 $0x7, v3  }
0x58: {  	v3 =	vor.u32 v3, v4  }
0x59: {  	v4 =	vperm.xlane v3, v0;
	_ =	sdelay $0x1  }
0x5a: {  	v4 =	vadd.s32 v1, v4;
	_ =	sdelay $0x3  }
0x5b: {  	s0 =	rddreg [dreg:$0x10];
	v3 =	vperm.xlane v3, v2  }
0x5c: {  	[hbm4b:s3+s2] =	stream.indirect_vreg.scatter [tilespmem:s0], [sflag:$0x1], $0x80, v4, vm0, $0xb8;
	[tilespmem:$0x18080] =	vst v63  }
0x5d: {  	s9 =	rddreg [dreg:$0x11];
	v3 =	vadd.s32 v1, v3  }
0x5e: {  	[hbm4b:s4+s2] =	stream.indirect_vreg.scatter [tilespmem:s9], [sflag:$0x1], $0x80, v4, vm0, $0xb8;
	[tilespmem:$0x18080] =	vst v63  }
0x5f: {  	s0 =	rddreg [dreg:$0x12]  }
0x60: {  	[hbm4b:s5+s2] =	stream.indirect_vreg.scatter [tilespmem:s0], [sflag:$0x1], $0x80, v4, vm0, $0xb8;
	[tilespmem:$0x18080] =	vst v63  }
0x61: {  	s9 =	rddreg [dreg:$0x13]  }
0x62: {  	[hbm4b:s3+s2] =	stream.indirect_vreg.scatter [tilespmem:s9], [sflag:$0x1], $0x80, v3, vm0, $0xb8;
	[tilespmem:$0x18080] =	vst v63  }
0x63: {  	s0 =	rddreg [dreg:$0x14]  }
0x64: {  	[hbm4b:s4+s2] =	stream.indirect_vreg.scatter [tilespmem:s0], [sflag:$0x1], $0x80, v3, vm0, $0xb8;
	[tilespmem:$0x18080] =	vst v63  }
0x65: {  	s9 =	rddreg [dreg:$0x15]  }
0x66: {  	[hbm4b:s5+s2] =	stream.indirect_vreg.scatter [tilespmem:s9], [sflag:$0x1], $0x80, v3, vm0, $0xb8;
	[tilespmem:$0x18080] =	vst v63  }
0x67: {  	v3 =	vld [tilespmem:$0x30];
	_ =	sdelay $0x4  }
0x68: {  	v59 =	vshrl.u32 v3, $0x3  }
0x69: {  	v4 =	vmul.u32 $0x30, v59  }
0x6a: {  	v3 =	vand.u32 $0x7, v3  }
0x6b: {  	v3 =	vor.u32 v3, v4  }
0x6c: {  	v4 =	vperm.xlane v3, v0;
	_ =	sdelay $0x1  }
0x6d: {  	v4 =	vadd.s32 v1, v4;
	_ =	sdelay $0x3  }
0x6e: {  	s0 =	rddreg [dreg:$0x16];
	v3 =	vperm.xlane v3, v2  }
0x6f: {  	[hbm4b:s3+s2] =	stream.indirect_vreg.scatter [tilespmem:s0], [sflag:$0x1], $0x80, v4, vm0, $0xb8;
	[tilespmem:$0x18080] =	vst v63  }
0x70: {  	s9 =	rddreg [dreg:$0x17];
	v3 =	vadd.s32 v1, v3  }
0x71: {  	[hbm4b:s4+s2] =	stream.indirect_vreg.scatter [tilespmem:s9], [sflag:$0x1], $0x80, v4, vm0, $0xb8;
	[tilespmem:$0x18080] =	vst v63  }
0x72: {  	s0 =	rddreg [dreg:$0x18]  }
0x73: {  	[hbm4b:s5+s2] =	stream.indirect_vreg.scatter [tilespmem:s0], [sflag:$0x1], $0x80, v4, vm0, $0xb8;
	[tilespmem:$0x18080] =	vst v63  }
0x74: {  	s9 =	rddreg [dreg:$0x19]  }
0x75: {  	[hbm4b:s3+s2] =	stream.indirect_vreg.scatter [tilespmem:s9], [sflag:$0x1], $0x80, v3, vm0, $0xb8;
	[tilespmem:$0x18080] =	vst v63  }
0x76: {  	s0 =	rddreg [dreg:$0x1a]  }
0x77: {  	[hbm4b:s4+s2] =	stream.indirect_vreg.scatter [tilespmem:s0], [sflag:$0x1], $0x80, v3, vm0, $0xb8;
	[tilespmem:$0x18080] =	vst v63  }
0x78: {  	s9 =	rddreg [dreg:$0x1b]  }
0x79: {  	[hbm4b:s5+s2] =	stream.indirect_vreg.scatter [tilespmem:s9], [sflag:$0x1], $0x80, v3, vm0, $0xb8;
	[tilespmem:$0x18080] =	vst v63  }
0x7a: {  	v3 =	vld [tilespmem:$0x40];
	_ =	sdelay $0x4  }
0x7b: {  	v60 =	vshrl.u32 v3, $0x3  }
0x7c: {  	v4 =	vmul.u32 $0x30, v60  }
0x7d: {  	v3 =	vand.u32 $0x7, v3  }
0x7e: {  	v3 =	vor.u32 v3, v4  }
0x7f: {  	v4 =	vperm.xlane v3, v0;
	_ =	sdelay $0x1  }
0x80: {  	v4 =	vadd.s32 v1, v4;
	_ =	sdelay $0x3  }
0x81: {  	s0 =	rddreg [dreg:$0x1c];
	v3 =	vperm.xlane v3, v2  }
0x82: {  	[hbm4b:s3+s2] =	stream.indirect_vreg.scatter [tilespmem:s0], [sflag:$0x1], $0x80, v4, vm0, $0xb8;
	[tilespmem:$0x18080] =	vst v63  }
0x83: {  	s9 =	rddreg [dreg:$0x1d];
	v3 =	vadd.s32 v1, v3  }
0x84: {  	[hbm4b:s4+s2] =	stream.indirect_vreg.scatter [tilespmem:s9], [sflag:$0x1], $0x80, v4, vm0, $0xb8;
	[tilespmem:$0x18080] =	vst v63  }
0x85: {  	s9 =	simm.s32 $0xD080  }
0x86: {  	[hbm4b:s5+s2] =	stream.indirect_vreg.scatter [tilespmem:s9], [sflag:$0x1], $0x80, v4, vm0, $0xb8;
	[tilespmem:$0x18080] =	vst v63  }
0x87: {  	_ = 	snop  }
0x88: {  	[hbm4b:s3+s2] =	stream.indirect_vreg.scatter [tilespmem:s10], [sflag:$0x1], $0x80, v3, vm0, $0xb8;
	[tilespmem:$0x18080] =	vst v63  }
0x89: {  	_ = 	snop  }
0x8a: {  	[hbm4b:s4+s2] =	stream.indirect_vreg.scatter [tilespmem:s11], [sflag:$0x1], $0x80, v3, vm0, $0xb8;
	[tilespmem:$0x18080] =	vst v63  }
0x8b: {  	_ = 	snop  }
0x8c: {  	[hbm4b:s5+s2] =	stream.indirect_vreg.scatter [tilespmem:s12], [sflag:$0x1], $0x80, v3, vm0, $0xb8;
	[tilespmem:$0x18080] =	vst v63  }
0x8d: {  	v3 =	vld [tilespmem:$0x50];
	_ =	sdelay $0x4  }
0x8e: {  	v61 =	vshrl.u32 v3, $0x3  }
0x8f: {  	v4 =	vmul.u32 $0x30, v61  }
0x90: {  	v3 =	vand.u32 $0x7, v3  }
0x91: {  	v3 =	vor.u32 v3, v4  }
0x92: {  	v4 =	vperm.xlane v3, v0;
	_ =	sdelay $0x1  }
0x93: {  	v4 =	vadd.s32 v1, v4;
	_ =	sdelay $0x3  }
0x94: {  	v3 =	vperm.xlane v3, v2  }
0x95: {  	[hbm4b:s3+s2] =	stream.indirect_vreg.scatter [tilespmem:s13], [sflag:$0x1], $0x80, v4, vm0, $0xb8;
	[tilespmem:$0x18080] =	vst v63  }
0x96: {  	v3 =	vadd.s32 v1, v3  }
0x97: {  	[hbm4b:s4+s2] =	stream.indirect_vreg.scatter [tilespmem:s14], [sflag:$0x1], $0x80, v4, vm0, $0xb8;
	[tilespmem:$0x18080] =	vst v63  }
0x98: {  	_ = 	snop  }
0x99: {  	[hbm4b:s5+s2] =	stream.indirect_vreg.scatter [tilespmem:s15], [sflag:$0x1], $0x80, v4, vm0, $0xb8;
	[tilespmem:$0x18080] =	vst v63  }
0x9a: {  	_ = 	snop  }
0x9b: {  	[hbm4b:s3+s2] =	stream.indirect_vreg.scatter [tilespmem:s16], [sflag:$0x1], $0x80, v3, vm0, $0xb8;
	[tilespmem:$0x18080] =	vst v63  }
0x9c: {  	_ = 	snop  }
0x9d: {  	[hbm4b:s4+s2] =	stream.indirect_vreg.scatter [tilespmem:s17], [sflag:$0x1], $0x80, v3, vm0, $0xb8;
	[tilespmem:$0x18080] =	vst v63  }
0x9e: {  	_ = 	snop  }
0x9f: {  	[hbm4b:s5+s2] =	stream.indirect_vreg.scatter [tilespmem:s18], [sflag:$0x1], $0x80, v3, vm0, $0xb8;
	[tilespmem:$0x18080] =	vst v63  }
0xa0: {  	v3 =	vld [tilespmem:$0x60];
	_ =	sdelay $0x4  }
0xa1: {  	v62 =	vshrl.u32 v3, $0x3  }
0xa2: {  	v4 =	vmul.u32 $0x30, v62  }
0xa3: {  	v3 =	vand.u32 $0x7, v3  }
0xa4: {  	v3 =	vor.u32 v3, v4  }
0xa5: {  	v4 =	vperm.xlane v3, v0;
	_ =	sdelay $0x1  }
0xa6: {  	v4 =	vadd.s32 v1, v4;
	_ =	sdelay $0x3  }
0xa7: {  	v3 =	vperm.xlane v3, v2  }
0xa8: {  	[hbm4b:s3+s2] =	stream.indirect_vreg.scatter [tilespmem:s19], [sflag:$0x1], $0x80, v4, vm0, $0xb8;
	[tilespmem:$0x18080] =	vst v63  }
0xa9: {  	v3 =	vadd.s32 v1, v3  }
0xaa: {  	[hbm4b:s4+s2] =	stream.indirect_vreg.scatter [tilespmem:s20], [sflag:$0x1], $0x80, v4, vm0, $0xb8;
	[tilespmem:$0x18080] =	vst v63  }
0xab: {  	_ = 	snop  }
0xac: {  	[hbm4b:s5+s2] =	stream.indirect_vreg.scatter [tilespmem:s21], [sflag:$0x1], $0x80, v4, vm0, $0xb8;
	[tilespmem:$0x18080] =	vst v63  }
0xad: {  	_ = 	snop  }
0xae: {  	[hbm4b:s3+s2] =	stream.indirect_vreg.scatter [tilespmem:s22], [sflag:$0x1], $0x80, v3, vm0, $0xb8;
	[tilespmem:$0x18080] =	vst v63  }
0xaf: {  	_ = 	snop  }
0xb0: {  	[hbm4b:s4+s2] =	stream.indirect_vreg.scatter [tilespmem:s23], [sflag:$0x1], $0x80, v3, vm0, $0xb8;
	[tilespmem:$0x18080] =	vst v63  }
0xb1: {  	_ = 	snop  }
0xb2: {  	[hbm4b:s5+s2] =	stream.indirect_vreg.scatter [tilespmem:s24], [sflag:$0x1], $0x80, v3, vm0, $0xb8;
	[tilespmem:$0x18080] =	vst v63  }
0xb3: {  	v3 =	vld [tilespmem:$0x70];
	_ =	sdelay $0x4  }
0xb4: {  	v63 =	vshrl.u32 v3, $0x3  }
0xb5: {  	v4 =	vmul.u32 $0x30, v63  }
0xb6: {  	v3 =	vand.u32 $0x7, v3  }
0xb7: {  	v3 =	vor.u32 v3, v4  }
0xb8: {  	v4 =	vperm.xlane v3, v0;
	_ =	sdelay $0x1  }
0xb9: {  	v4 =	vadd.s32 v1, v4;
	_ =	sdelay $0x3  }
0xba: {  	v3 =	vperm.xlane v3, v2  }
0xbb: {  	[hbm4b:s3+s2] =	stream.indirect_vreg.scatter [tilespmem:s25], [sflag:$0x1], $0x80, v4, vm0, $0xb8;
	[tilespmem:$0x18080] =	vst v63  }
0xbc: {  	v3 =	vadd.s32 v1, v3  }
0xbd: {  	[hbm4b:s4+s2] =	stream.indirect_vreg.scatter [tilespmem:s26], [sflag:$0x1], $0x80, v4, vm0, $0xb8;
	[tilespmem:$0x18080] =	vst v63  }
0xbe: {  	_ = 	snop  }
0xbf: {  	[hbm4b:s5+s2] =	stream.indirect_vreg.scatter [tilespmem:s28], [sflag:$0x1], $0x80, v4, vm0, $0xb8;
	[tilespmem:$0x18080] =	vst v63  }
0xc0: {  	_ = 	snop  }
0xc1: {  	[hbm4b:s3+s2] =	stream.indirect_vreg.scatter [tilespmem:s29], [sflag:$0x1], $0x80, v3, vm0, $0xb8;
	[tilespmem:$0x18080] =	vst v63  }
0xc2: {  	p0 =	sne.s32 s6, $0x1  }
0xc3: {  	[hbm4b:s4+s2] =	stream.indirect_vreg.scatter [tilespmem:s30], [sflag:$0x1], $0x80, v3, vm0, $0xb8;
	[tilespmem:$0x18080] =	vst v63  }
.Ltmp0:
0xc4: {  	_ = 	snop;
	(pc) =	sbr.rel @p0 .LBB2_1-.Ltmp0, $4  }
0xc5: {  	[hbm4b:s5+s2] =	stream.indirect_vreg.scatter [tilespmem:s31], [sflag:$0x1], $0x80, v3, vm0, $0xb8;
	[tilespmem:$0x18080] =	vst v63  }
0xc6: {  	_ =	swait.ge [sflag:s1], $0x18000  }
0xc7: {  	[sflag:s1] =	ssyncset.done $0x0  }
0xc8: {  	s6 =	sadd.s32 $0xFFFFFFFF, s6;
	[sflag:s1] =	ssyncadd.s32 $0xFFFE8000  }
0xc9: {  	_ =	sfence.sel $0x180000  }
0xca: {  	[bflag:$0x0] =	sbarrier.arrive $0xFFFF  }
0xcb: {  	_ =	strace $0x90000047  }
0xcc: {  	s0 =	stileid.u32;
	[bflag:$0x2] =	sbarrier.arrive $0xFFFF  }
0xcd: {  	p0 =	sne.s32 s0, $0x0;
	s0 =	rddreg [dreg:$0x2]  }
0xce: {  	s0 =	sadd.s32 @!p0 $0x100000, s0  }
0xcf: {  	[sflag:s0] =	ssyncadd.tile.s32 @!p0 $0x1;
	_ =	shalt  }
.Lfunc_end2:
_tile_overlayer_lowered:
.L_overlay_start_2:
0xd0: {  	(tag) =	ssettag $0x2  }
0xd1: {  	s0 =	rddreg [dreg:$0x0];
	s2 =	stileid.u32  }
0xd2: {  	s1 =	rddreg [dreg:$0x1];
	p0 =	sne.s32 s2, $0x0  }
0xd3: {  	s3 =	rddreg [dreg:$0x2];
	[bflag:$0x3] =	sbarrier.arrive $0xFFFF;
	s2 =	simm.s32 @!p0 $0x1C02  }
0xd4: {  	[timem:s3], [sflag:s2] =	dma.local @!p0 [hbm:s0], s1  }
0xd5: {  	s0 =	simm.s32 @!p0 $0x2  }
0xd6: {  	_ =	swait.ge @!p0 [sflag:s0], s1  }
0xd7: {  	s1 =	ssub.s32 @!p0 $0x0, s1;
	[sflag:s0] =	ssyncset.done @!p0 $0x0  }
0xd8: {  	[sflag:s0] =	ssyncadd.s32 @!p0 s1  }
0xd9: {  	[bflag:$0x3] =	sbarrier.arrive $0xFFFF  }
0xda: {  	_ =	shalt  }

</sc_bundles>
